<compile_context>
chip_gen: v7x
topology: tpu7x:2x2x1
jax: 0.10.2.dev20260603
libtpu: 0.0.44.dev20260713+nightly
codegen_flags: <defaults>
</compile_context>

<pallas_src>
import functools

import jax
import jax.numpy as jnp
from jax import lax
from jax.experimental import pallas as pl
from jax.experimental.pallas import tpu as pltpu
from jax.experimental.pallas import tpu_sc as plsc

_NUM_FILTERS = 64
_HIDDEN_DIM = 64
_OUT_DIM = 128
_N_NODES = 10000
_N_EDGES = 320000

_NC = 2
_NS = 16
_NW = _NC * _NS
_L = 16

_G = 2
_EPG = _N_EDGES // _G
_EPT = _EPG // _NW
_ROWS_PT = _N_NODES // _NS
_CHUNK = 192
_NPAIR = 13
_TAIL = _EPT - 2 * _NPAIR * _CHUNK

_E_BLK = 6400
_N_EBLK = _N_EDGES // _E_BLK
_BPG = _N_EBLK // _G

_DEPT = _N_EDGES // _NW

_LOG2 = 0.6931471805599453

_SC_PARAMS = pltpu.CompilerParams(needs_layout_passes=False,
                                  use_tc_tiling_on_sc=False)


def _dist2_body(xs_hbm, ys_hbm, zs_hbm, src_hbm, dst_hbm, out_hbm,
                xs_v, ys_v, zs_v, src_v, dst_v, d2_v):
    wid = lax.axis_index("s") * _NC + lax.axis_index("c")
    base = wid * _DEPT
    pltpu.sync_copy(xs_hbm, xs_v)
    pltpu.sync_copy(ys_hbm, ys_v)
    pltpu.sync_copy(zs_hbm, zs_v)
    pltpu.sync_copy(src_hbm.at[pl.ds(base, _DEPT)], src_v)
    pltpu.sync_copy(dst_hbm.at[pl.ds(base, _DEPT)], dst_v)

    def body(i, carry):
        sl = pl.ds(i * _L, _L)
        s = src_v[sl]
        t = dst_v[sl]
        dx = plsc.load_gather(xs_v, [s]) - plsc.load_gather(xs_v, [t])
        dy = plsc.load_gather(ys_v, [s]) - plsc.load_gather(ys_v, [t])
        dz = plsc.load_gather(zs_v, [s]) - plsc.load_gather(zs_v, [t])
        d2_v[sl] = dx * dx + dy * dy + dz * dz
        return carry

    lax.fori_loop(0, _DEPT // _L, body, 0)
    pltpu.sync_copy(d2_v, out_hbm.at[pl.ds(base, _DEPT)])


def _mlp_body(d2_ref, mu_ref, g_ref, w1_ref, b1_ref, w2_ref, b2_ref, out_ref):
    d = jnp.sqrt(d2_ref[0])
    g = g_ref[0, 0]
    t = d - mu_ref[...]
    ex = jnp.exp(-g * t * t)
    h1 = jnp.dot(w1_ref[...], ex,
                 preferred_element_type=jnp.float32)
    h1 = jnp.log1p(jnp.exp(h1 + b1_ref[...])) - _LOG2
    h2 = lax.dot_general(h1, w2_ref[...], (((0,), (1,)), ((), ())),
                         preferred_element_type=jnp.float32)
    out_ref[...] = jnp.log1p(jnp.exp(h2 + b2_ref[...])) - _LOG2


def _make_mlp(group):
    off = group * _BPG
    return pl.pallas_call(
        _mlp_body,
        grid=(_BPG,),
        in_specs=[
            pl.BlockSpec((1, 1, _E_BLK), lambda i: (i + off, 0, 0)),
            pl.BlockSpec((_NUM_FILTERS, 1), lambda i: (0, 0)),
            pl.BlockSpec((1, 1), lambda i: (0, 0)),
            pl.BlockSpec((_HIDDEN_DIM, _NUM_FILTERS), lambda i: (0, 0)),
            pl.BlockSpec((_HIDDEN_DIM, 1), lambda i: (0, 0)),
            pl.BlockSpec((_OUT_DIM, _HIDDEN_DIM), lambda i: (0, 0)),
            pl.BlockSpec((1, _OUT_DIM), lambda i: (0, 0)),
        ],
        out_specs=pl.BlockSpec((_E_BLK, _OUT_DIM), lambda i: (i, 0)),
        out_shape=jax.ShapeDtypeStruct((_EPG, _OUT_DIM), jnp.float32),
    )


def _make_scatter_body(group):
    def body_fn(h_hbm, dst_hbm, zeros_hbm, out_hbm, acc_s,
                hbuf0, hbuf1, idx0, idx1, tbuf, tidx, sem0, sem1):
        c = lax.axis_index("c")
        s = lax.axis_index("s")
        pltpu.sync_copy(zeros_hbm, acc_s.at[pl.ds(s * _ROWS_PT, _ROWS_PT)])
        plsc.subcore_barrier()

        hbase = (s * _NC + c) * _EPT
        dbase = group * _EPG + hbase

        def load(j, idx_v, hbuf_v):
            pltpu.sync_copy(dst_hbm.at[pl.ds(dbase + j * _CHUNK, _CHUNK)],
                            idx_v)
            pltpu.sync_copy(h_hbm.at[pl.ds(hbase + j * _CHUNK, _CHUNK)],
                            hbuf_v)

        load(0, idx0, hbuf0)

        def pair(k, carry):
            sc0 = pltpu.async_copy(hbuf0, acc_s.at[idx0], sem0, add=True)
            load(2 * k + 1, idx1, hbuf1)
            sc0.wait()
            sc1 = pltpu.async_copy(hbuf1, acc_s.at[idx1], sem1, add=True)

            @pl.when(k < _NPAIR - 1)
            def _():
                load(2 * k + 2, idx0, hbuf0)

            sc1.wait()
            return carry

        lax.fori_loop(0, _NPAIR, pair, 0)

        toff = 2 * _NPAIR * _CHUNK
        pltpu.sync_copy(dst_hbm.at[pl.ds(dbase + toff, _TAIL)], tidx)
        pltpu.sync_copy(h_hbm.at[pl.ds(hbase + toff, _TAIL)], tbuf)
        pltpu.sync_copy(tbuf, acc_s.at[tidx], add=True)

        plsc.subcore_barrier()
        pltpu.sync_copy(acc_s.at[pl.ds(s * _ROWS_PT, _ROWS_PT)],
                        out_hbm.at[pl.ds(c * _N_NODES + s * _ROWS_PT, _ROWS_PT)])

    return body_fn


def _combine_body(f_ref, pa0_ref, pa1_ref, pb0_ref, pb1_ref, out_ref):
    out_ref[...] = f_ref[...] * ((pa0_ref[...] + pa1_ref[...]) +
                                 (pb0_ref[...] + pb1_ref[...]))


_N_CBLK = 25
_C_BLK = _N_NODES // _N_CBLK

_combine_tc = pl.pallas_call(
    _combine_body,
    grid=(_N_CBLK,),
    in_specs=[
        pl.BlockSpec((_C_BLK, _OUT_DIM), lambda i: (i, 0)),
        pl.BlockSpec((_C_BLK, _OUT_DIM), lambda i: (i, 0)),
        pl.BlockSpec((_C_BLK, _OUT_DIM), lambda i: (i + _N_CBLK, 0)),
        pl.BlockSpec((_C_BLK, _OUT_DIM), lambda i: (i, 0)),
        pl.BlockSpec((_C_BLK, _OUT_DIM), lambda i: (i + _N_CBLK, 0)),
    ],
    out_specs=pl.BlockSpec((_C_BLK, _OUT_DIM), lambda i: (i, 0)),
    out_shape=jax.ShapeDtypeStruct((_N_NODES, _OUT_DIM), jnp.float32),
)


@functools.lru_cache(maxsize=1)
def _sc_kernels():
    mesh = plsc.VectorSubcoreMesh(core_axis_name="c", subcore_axis_name="s",
                                  num_cores=_NC, num_subcores=_NS)
    dist2 = pl.kernel(
        _dist2_body,
        out_type=jax.ShapeDtypeStruct((_N_EDGES,), jnp.float32),
        mesh=mesh,
        compiler_params=_SC_PARAMS,
        scratch_types=[
            pltpu.VMEM((_N_NODES,), jnp.float32),
            pltpu.VMEM((_N_NODES,), jnp.float32),
            pltpu.VMEM((_N_NODES,), jnp.float32),
            pltpu.VMEM((_DEPT,), jnp.int32),
            pltpu.VMEM((_DEPT,), jnp.int32),
            pltpu.VMEM((_DEPT,), jnp.float32),
        ],
    )
    scatters = tuple(
        pl.kernel(
            _make_scatter_body(g),
            out_type=jax.ShapeDtypeStruct((_NC * _N_NODES, _OUT_DIM),
                                          jnp.float32),
            mesh=mesh,
            compiler_params=_SC_PARAMS,
            scratch_types=[
                pltpu.VMEM_SHARED((_N_NODES, _OUT_DIM), jnp.float32),
                pltpu.VMEM((_CHUNK, _OUT_DIM), jnp.float32),
                pltpu.VMEM((_CHUNK, _OUT_DIM), jnp.float32),
                pltpu.VMEM((_CHUNK,), jnp.int32),
                pltpu.VMEM((_CHUNK,), jnp.int32),
                pltpu.VMEM((_TAIL, _OUT_DIM), jnp.float32),
                pltpu.VMEM((_TAIL,), jnp.int32),
                pltpu.SemaphoreType.DMA,
                pltpu.SemaphoreType.DMA,
            ],
        )
        for g in range(_G)
    )
    return dist2, scatters


_mlps = tuple(_make_mlp(g) for g in range(_G))


def kernel(in_node_feat, node_pos, edge_index, lower_bound, upper_bound, gamma,
           W1, b1, W2, b2):
    _dist2_sc, _scatter_scs = _sc_kernels()
    src = edge_index[0].astype(jnp.int32)
    dst = edge_index[1].astype(jnp.int32)
    xs = node_pos[:, 0]
    ys = node_pos[:, 1]
    zs = node_pos[:, 2]

    d2 = _dist2_sc(xs, ys, zs, src, dst)
    d2_3d = d2.reshape(_N_EBLK, 1, _E_BLK)

    mu = jnp.linspace(jnp.asarray(lower_bound, jnp.float32),
                      jnp.asarray(upper_bound, jnp.float32),
                      _NUM_FILTERS).reshape(_NUM_FILTERS, 1)
    g = jnp.asarray(gamma, jnp.float32).reshape(1, 1)
    b1c = b1.reshape(_HIDDEN_DIM, 1)
    b2r = b2.reshape(1, _OUT_DIM)
    zeros = jnp.zeros((_ROWS_PT, _OUT_DIM), jnp.float32)

    partials = []
    for grp in range(_G):
        h = _mlps[grp](d2_3d, mu, g, W1, b1c, W2, b2r)
        partials.append(_scatter_scs[grp](h, dst, zeros))

    return _combine_tc(in_node_feat, partials[0], partials[0],
                       partials[1], partials[1])

# --- scband reference (transcript-rebuilt; emitter-appended) ---
"""Pipeline reference for scband-cfconv-27994596835767 (READ-ONLY COPY).

The authoritative reference and input builder live on the scoring server;
editing this copy changes nothing except your own understanding.
"""

import jax, jax.numpy as jnp
import numpy as np

NUM_FILTERS = 64
HIDDEN_DIM = 64
OUT_DIM = 128
N_NODES = 10000
N_EDGES = 320000


def _xavier(k, fan_out, fan_in):
    lim = float(np.sqrt(6.0 / (fan_in + fan_out)))
    return jax.random.uniform(k, (fan_out, fan_in), minval=-lim, maxval=lim, dtype=jnp.float32)


def setup_inputs(seed: int = 0) -> dict:
    key = jax.random.key(seed)
    k1, k2, k3, k4, k5 = jax.random.split(key, 5)
    in_node_feat = jax.random.normal(k1, (N_NODES, OUT_DIM), dtype=jnp.float32)
    node_pos = jax.random.normal(k2, (N_NODES, 3), dtype=jnp.float32)
    src = jax.random.randint(k3, (N_EDGES,), 0, N_NODES)
    offs = jax.random.randint(k4, (N_EDGES,), 1, N_NODES)
    dst = (src + offs) % N_NODES  # avoid self-loops (zero distance -> nan grads)
    edge_index = jnp.stack([src, dst], axis=0)
    kW1, kW2 = jax.random.split(k5)
    W1 = _xavier(kW1, HIDDEN_DIM, NUM_FILTERS)
    b1 = jnp.zeros((HIDDEN_DIM,), dtype=jnp.float32)
    W2 = _xavier(kW2, OUT_DIM, HIDDEN_DIM)
    b2 = jnp.zeros((OUT_DIM,), dtype=jnp.float32)
    return {"in_node_feat": in_node_feat, "node_pos": node_pos, "edge_index": edge_index,
            "lower_bound": 0, "upper_bound": 30, "gamma": 10,
            "W1": W1, "b1": b1, "W2": W2, "b2": b2}


def reference(in_node_feat, node_pos, edge_index, lower_bound, upper_bound, gamma, W1, b1, W2, b2):
    source = edge_index[0]
    target = edge_index[1]
    diff = node_pos[source] - node_pos[target]
    distance = jnp.sum(diff ** 2, axis=-1) ** 0.5
    mu = jnp.linspace(jnp.asarray(lower_bound, jnp.float32), jnp.asarray(upper_bound, jnp.float32), NUM_FILTERS)
    expanded = jnp.exp(-jnp.asarray(gamma, jnp.float32) * (distance[:, None] - mu[None, :]) ** 2)
    h = expanded @ W1.T + b1
    h = jax.nn.softplus(h) - jnp.log(2.0)
    h = h @ W2.T + b2
    h = jax.nn.softplus(h) - jnp.log(2.0)
    message = in_node_feat[target] * h
    out = jnp.zeros((in_node_feat.shape[0], OUT_DIM), dtype=message.dtype).at[target].add(message)
    return out

if __name__ == "__main__":
    import jax
    _d = setup_inputs()
    print(jax.jit(kernel)(*tuple(_d.values())))

</pallas_src>

<mosaic_0001>
#map = affine_map<(d0, d1) -> (0)>
module attributes {stable_mosaic.version = 14 : i64} {
  func.func @_dist2_body(%arg0: i32, %arg1: i32, %arg2: memref<10000xf32, #tpu.memory_space<hbm>>, %arg3: memref<10000xf32, #tpu.memory_space<hbm>>, %arg4: memref<10000xf32, #tpu.memory_space<hbm>>, %arg5: memref<320000xi32, #tpu.memory_space<hbm>>, %arg6: memref<320000xi32, #tpu.memory_space<hbm>>, %arg7: memref<320000xf32, #tpu.memory_space<hbm>>, %arg8: memref<10000xf32, #tpu.memory_space<vmem>>, %arg9: memref<10000xf32, #tpu.memory_space<vmem>>, %arg10: memref<10000xf32, #tpu.memory_space<vmem>>, %arg11: memref<10000xi32, #tpu.memory_space<vmem>>, %arg12: memref<10000xi32, #tpu.memory_space<vmem>>, %arg13: memref<10000xf32, #tpu.memory_space<vmem>>) attributes {dimension_semantics = [#tpu.dimension_semantics<core_parallel>, #tpu.dimension_semantics<subcore_parallel>], iteration_bounds = array<i64: 2, 16>, scalar_prefetch = 0 : i64, scratch_operands = 6 : i64, tpu.core_type = #tpu.core_type<sc_vector_subcore>, window_params = [{transform_indices = #map}, {transform_indices = #map}, {transform_indices = #map}, {transform_indices = #map}, {transform_indices = #map}, {transform_indices = #map}]} {
    %mul3A = arith.constant 2 : i32
    %mul3A_0 = arith.muli %arg1, %mul3A : i32
    %add3A = arith.addi %mul3A_0, %arg0 : i32
    %mul3A_1 = arith.constant 10000 : i32
    %mul3A_2 = arith.muli %add3A, %mul3A_1 : i32
    "tpu.region"() ({
      %run_scoped3A = tpu.sem_alloc : memref<!tpu.dma_semaphore, #tpu.memory_space<semaphore_mem>>
      tpu.enqueue_dma source(%arg2 : memref<10000xf32, #tpu.memory_space<hbm>>) target(%arg8 : memref<10000xf32, #tpu.memory_space<vmem>>) target_semaphore(%run_scoped3A : memref<!tpu.dma_semaphore, #tpu.memory_space<semaphore_mem>>)
      tpu.wait_dma2 semaphore(%run_scoped3A : memref<!tpu.dma_semaphore, #tpu.memory_space<semaphore_mem>>) src(%arg2 : memref<10000xf32, #tpu.memory_space<hbm>>) dst(%arg8 : memref<10000xf32, #tpu.memory_space<vmem>>)
      tpu.yield
    }) : () -> ()
    "tpu.region"() ({
      %run_scoped3A = tpu.sem_alloc : memref<!tpu.dma_semaphore, #tpu.memory_space<semaphore_mem>>
      tpu.enqueue_dma source(%arg3 : memref<10000xf32, #tpu.memory_space<hbm>>) target(%arg9 : memref<10000xf32, #tpu.memory_space<vmem>>) target_semaphore(%run_scoped3A : memref<!tpu.dma_semaphore, #tpu.memory_space<semaphore_mem>>)
      tpu.wait_dma2 semaphore(%run_scoped3A : memref<!tpu.dma_semaphore, #tpu.memory_space<semaphore_mem>>) src(%arg3 : memref<10000xf32, #tpu.memory_space<hbm>>) dst(%arg9 : memref<10000xf32, #tpu.memory_space<vmem>>)
      tpu.yield
    }) : () -> ()
    "tpu.region"() ({
      %run_scoped3A = tpu.sem_alloc : memref<!tpu.dma_semaphore, #tpu.memory_space<semaphore_mem>>
      tpu.enqueue_dma source(%arg4 : memref<10000xf32, #tpu.memory_space<hbm>>) target(%arg10 : memref<10000xf32, #tpu.memory_space<vmem>>) target_semaphore(%run_scoped3A : memref<!tpu.dma_semaphore, #tpu.memory_space<semaphore_mem>>)
      tpu.wait_dma2 semaphore(%run_scoped3A : memref<!tpu.dma_semaphore, #tpu.memory_space<semaphore_mem>>) src(%arg4 : memref<10000xf32, #tpu.memory_space<hbm>>) dst(%arg10 : memref<10000xf32, #tpu.memory_space<vmem>>)
      tpu.yield
    }) : () -> ()
    "tpu.region"() ({
      %run_scoped3A = tpu.sem_alloc : memref<!tpu.dma_semaphore, #tpu.memory_space<semaphore_mem>>
      %dma_start3A = tpu.memref_slice %arg5[%mul3A_2] : memref<320000xi32, #tpu.memory_space<hbm>> -> memref<10000xi32, #tpu.memory_space<hbm>>
      %dma_start3A_8 = tpu.memref_slice %arg5[%mul3A_2] : memref<320000xi32, #tpu.memory_space<hbm>> -> memref<10000xi32, #tpu.memory_space<hbm>>
      tpu.enqueue_dma source(%dma_start3A_8 : memref<10000xi32, #tpu.memory_space<hbm>>) target(%arg11 : memref<10000xi32, #tpu.memory_space<vmem>>) target_semaphore(%run_scoped3A : memref<!tpu.dma_semaphore, #tpu.memory_space<semaphore_mem>>)
      %dma_wait3A = tpu.memref_slice %arg5[%mul3A_2] : memref<320000xi32, #tpu.memory_space<hbm>> -> memref<10000xi32, #tpu.memory_space<hbm>>
      %dma_wait3A_9 = tpu.memref_slice %arg5[%mul3A_2] : memref<320000xi32, #tpu.memory_space<hbm>> -> memref<10000xi32, #tpu.memory_space<hbm>>
      tpu.wait_dma2 semaphore(%run_scoped3A : memref<!tpu.dma_semaphore, #tpu.memory_space<semaphore_mem>>) src(%dma_wait3A_9 : memref<10000xi32, #tpu.memory_space<hbm>>) dst(%arg11 : memref<10000xi32, #tpu.memory_space<vmem>>)
      tpu.yield
    }) : () -> ()
    "tpu.region"() ({
      %run_scoped3A = tpu.sem_alloc : memref<!tpu.dma_semaphore, #tpu.memory_space<semaphore_mem>>
      %dma_start3A = tpu.memref_slice %arg6[%mul3A_2] : memref<320000xi32, #tpu.memory_space<hbm>> -> memref<10000xi32, #tpu.memory_space<hbm>>
      %dma_start3A_8 = tpu.memref_slice %arg6[%mul3A_2] : memref<320000xi32, #tpu.memory_space<hbm>> -> memref<10000xi32, #tpu.memory_space<hbm>>
      tpu.enqueue_dma source(%dma_start3A_8 : memref<10000xi32, #tpu.memory_space<hbm>>) target(%arg12 : memref<10000xi32, #tpu.memory_space<vmem>>) target_semaphore(%run_scoped3A : memref<!tpu.dma_semaphore, #tpu.memory_space<semaphore_mem>>)
      %dma_wait3A = tpu.memref_slice %arg6[%mul3A_2] : memref<320000xi32, #tpu.memory_space<hbm>> -> memref<10000xi32, #tpu.memory_space<hbm>>
      %dma_wait3A_9 = tpu.memref_slice %arg6[%mul3A_2] : memref<320000xi32, #tpu.memory_space<hbm>> -> memref<10000xi32, #tpu.memory_space<hbm>>
      tpu.wait_dma2 semaphore(%run_scoped3A : memref<!tpu.dma_semaphore, #tpu.memory_space<semaphore_mem>>) src(%dma_wait3A_9 : memref<10000xi32, #tpu.memory_space<hbm>>) dst(%arg12 : memref<10000xi32, #tpu.memory_space<vmem>>)
      tpu.yield
    }) : () -> ()
    %scan3A = arith.constant 0 : i32
    %scan3A_3 = arith.constant 0 : i32
    %scan3A_4 = arith.constant 625 : i32
    %scan3A_5 = arith.addi %scan3A_3, %scan3A_4 : i32
    %scan3A_6 = arith.constant 1 : i32
    scf.for %scan3A_8 = %scan3A_3 to %scan3A_5 step %scan3A_6  : i32 {
      %mul3A_9 = arith.constant 16 : i32
      %mul3A_10 = arith.muli %scan3A_8, %mul3A_9 : i32
      %get3A = arith.index_cast %mul3A_10 : i32 to index
      %get3A_11 = tpu.vector_load %arg11[%get3A] {strides = array<i32>} : memref<10000xi32, #tpu.memory_space<vmem>>, vector<16xi32>,
      %get3A_12 = arith.index_cast %mul3A_10 : i32 to index
      %get3A_13 = tpu.vector_load %arg12[%get3A_12] {strides = array<i32>} : memref<10000xi32, #tpu.memory_space<vmem>>, vector<16xi32>,
      %gather3A = tpu.vector_load_idx %arg8[%get3A_11] : memref<10000xf32, #tpu.memory_space<vmem>>[vector<16xi32>], vector<16xf32>,
      %gather3A_14 = tpu.vector_load_idx %arg8[%get3A_13] : memref<10000xf32, #tpu.memory_space<vmem>>[vector<16xi32>], vector<16xf32>,
      %sub3A = arith.subf %gather3A, %gather3A_14 : vector<16xf32>
      %gather3A_15 = tpu.vector_load_idx %arg9[%get3A_11] : memref<10000xf32, #tpu.memory_space<vmem>>[vector<16xi32>], vector<16xf32>,
      %gather3A_16 = tpu.vector_load_idx %arg9[%get3A_13] : memref<10000xf32, #tpu.memory_space<vmem>>[vector<16xi32>], vector<16xf32>,
      %sub3A_17 = arith.subf %gather3A_15, %gather3A_16 : vector<16xf32>
      %gather3A_18 = tpu.vector_load_idx %arg10[%get3A_11] : memref<10000xf32, #tpu.memory_space<vmem>>[vector<16xi32>], vector<16xf32>,
      %gather3A_19 = tpu.vector_load_idx %arg10[%get3A_13] : memref<10000xf32, #tpu.memory_space<vmem>>[vector<16xi32>], vector<16xf32>,
      %sub3A_20 = arith.subf %gather3A_18, %gather3A_19 : vector<16xf32>
      %mul3A_21 = arith.mulf %sub3A, %sub3A : vector<16xf32>
      %mul3A_22 = arith.mulf %sub3A_17, %sub3A_17 : vector<16xf32>
      %add3A_23 = arith.addf %mul3A_21, %mul3A_22 : vector<16xf32>
      %mul3A_24 = arith.mulf %sub3A_20, %sub3A_20 : vector<16xf32>
      %add3A_25 = arith.addf %add3A_23, %mul3A_24 : vector<16xf32>
      %swap3A = arith.index_cast %mul3A_10 : i32 to index
      %swap3A_26 = tpu.vector_load %arg13[%swap3A] {strides = array<i32>} : memref<10000xf32, #tpu.memory_space<vmem>>, vector<16xf32>,
      tpu.vector_store %arg13[%swap3A], %add3A_25 {strides = array<i32>} : memref<10000xf32, #tpu.memory_space<vmem>>, vector<16xf32>,
    }
    %scan3A_7 = arith.constant 625 : i32
    "tpu.region"() ({
      %run_scoped3A = tpu.sem_alloc : memref<!tpu.dma_semaphore, #tpu.memory_space<semaphore_mem>>
      %dma_start3A = tpu.memref_slice %arg7[%mul3A_2] : memref<320000xf32, #tpu.memory_space<hbm>> -> memref<10000xf32, #tpu.memory_space<hbm>>
      %dma_start3A_8 = tpu.memref_slice %arg7[%mul3A_2] : memref<320000xf32, #tpu.memory_space<hbm>> -> memref<10000xf32, #tpu.memory_space<hbm>>
      tpu.enqueue_dma source(%arg13 : memref<10000xf32, #tpu.memory_space<vmem>>) target(%dma_start3A_8 : memref<10000xf32, #tpu.memory_space<hbm>>) target_semaphore(%run_scoped3A : memref<!tpu.dma_semaphore, #tpu.memory_space<semaphore_mem>>)
      %dma_wait3A = tpu.memref_slice %arg7[%mul3A_2] : memref<320000xf32, #tpu.memory_space<hbm>> -> memref<10000xf32, #tpu.memory_space<hbm>>
      %dma_wait3A_9 = tpu.memref_slice %arg7[%mul3A_2] : memref<320000xf32, #tpu.memory_space<hbm>> -> memref<10000xf32, #tpu.memory_space<hbm>>
      tpu.wait_dma2 semaphore(%run_scoped3A : memref<!tpu.dma_semaphore, #tpu.memory_space<semaphore_mem>>) src(%arg13 : memref<10000xf32, #tpu.memory_space<vmem>>) dst(%dma_wait3A_9 : memref<10000xf32, #tpu.memory_space<hbm>>)
      tpu.yield
    }) : () -> ()
    return
  }
}

#map = affine_map<(d0, d1) -> (0, 0)>
#map1 = affine_map<(d0, d1) -> (0)>
module attributes {stable_mosaic.version = 14 : i64} {
  func.func @body_fn(%arg0: i32, %arg1: i32, %arg2: memref<160000x128xf32, #tpu.memory_space<hbm>>, %arg3: memref<320000xi32, #tpu.memory_space<hbm>>, %arg4: memref<625x128xf32, #tpu.memory_space<hbm>>, %arg5: memref<20000x128xf32, #tpu.memory_space<hbm>>, %arg6: memref<10000x128xf32, #tpu.memory_space<vmem_shared>>, %arg7: memref<192x128xf32, #tpu.memory_space<vmem>>, %arg8: memref<192x128xf32, #tpu.memory_space<vmem>>, %arg9: memref<192xi32, #tpu.memory_space<vmem>>, %arg10: memref<192xi32, #tpu.memory_space<vmem>>, %arg11: memref<8x128xf32, #tpu.memory_space<vmem>>, %arg12: memref<8xi32, #tpu.memory_space<vmem>>, %arg13: memref<!tpu.dma_semaphore, #tpu.memory_space<semaphore_mem>>, %arg14: memref<!tpu.dma_semaphore, #tpu.memory_space<semaphore_mem>>) attributes {dimension_semantics = [#tpu.dimension_semantics<core_parallel>, #tpu.dimension_semantics<subcore_parallel>], iteration_bounds = array<i64: 2, 16>, scalar_prefetch = 0 : i64, scratch_operands = 9 : i64, tpu.core_type = #tpu.core_type<sc_vector_subcore>, window_params = [{transform_indices = #map}, {transform_indices = #map1}, {transform_indices = #map}, {transform_indices = #map}]} {
    %mul3A = arith.constant 625 : i32
    %mul3A_0 = arith.muli %arg1, %mul3A : i32
    "tpu.region"() ({
      %run_scoped3A = tpu.sem_alloc : memref<!tpu.dma_semaphore, #tpu.memory_space<semaphore_mem>>
      %dma_start3A = arith.constant 0 : i32
      %dma_start3A_28 = tpu.memref_slice %arg6[%mul3A_0, %dma_start3A] : memref<10000x128xf32, #tpu.memory_space<vmem_shared>> -> memref<625x128xf32, #tpu.memory_space<vmem_shared>>
      tpu.enqueue_dma source(%arg4 : memref<625x128xf32, #tpu.memory_space<hbm>>) target(%dma_start3A_28 : memref<625x128xf32, #tpu.memory_space<vmem_shared>>) target_semaphore(%run_scoped3A : memref<!tpu.dma_semaphore, #tpu.memory_space<semaphore_mem>>)
      %dma_wait3A = arith.constant 0 : i32
      %dma_wait3A_29 = tpu.memref_slice %arg6[%mul3A_0, %dma_wait3A] : memref<10000x128xf32, #tpu.memory_space<vmem_shared>> -> memref<625x128xf32, #tpu.memory_space<vmem_shared>>
      tpu.wait_dma2 semaphore(%run_scoped3A : memref<!tpu.dma_semaphore, #tpu.memory_space<semaphore_mem>>) src(%arg4 : memref<625x128xf32, #tpu.memory_space<hbm>>) dst(%dma_wait3A_29 : memref<625x128xf32, #tpu.memory_space<vmem_shared>>)
      tpu.yield
    }) : () -> ()
    %barrier3A = arith.constant 0 : index
    tpu.barrier barrier_id(%barrier3A)
    %mul3A_1 = arith.constant 2 : i32
    %mul3A_2 = arith.muli %arg1, %mul3A_1 : i32
    %add3A = arith.addi %mul3A_2, %arg0 : i32
    %mul3A_3 = arith.constant 5000 : i32
    %mul3A_4 = arith.muli %add3A, %mul3A_3 : i32
    %add3A_5 = arith.constant 160000 : i32
    %add3A_6 = arith.addi %add3A_5, %mul3A_4 : i32
    %add3A_7 = arith.constant 0 : i32
    %add3A_8 = arith.addi %add3A_6, %add3A_7 : i32
    "tpu.region"() ({
      %run_scoped3A = tpu.sem_alloc : memref<!tpu.dma_semaphore, #tpu.memory_space<semaphore_mem>>
      %dma_start3A = tpu.memref_slice %arg3[%add3A_8] : memref<320000xi32, #tpu.memory_space<hbm>> -> memref<192xi32, #tpu.memory_space<hbm>>
      %dma_start3A_28 = tpu.memref_slice %arg3[%add3A_8] : memref<320000xi32, #tpu.memory_space<hbm>> -> memref<192xi32, #tpu.memory_space<hbm>>
      tpu.enqueue_dma source(%dma_start3A_28 : memref<192xi32, #tpu.memory_space<hbm>>) target(%arg9 : memref<192xi32, #tpu.memory_space<vmem>>) target_semaphore(%run_scoped3A : memref<!tpu.dma_semaphore, #tpu.memory_space<semaphore_mem>>)
      %dma_wait3A = tpu.memref_slice %arg3[%add3A_8] : memref<320000xi32, #tpu.memory_space<hbm>> -> memref<192xi32, #tpu.memory_space<hbm>>
      %dma_wait3A_29 = tpu.memref_slice %arg3[%add3A_8] : memref<320000xi32, #tpu.memory_space<hbm>> -> memref<192xi32, #tpu.memory_space<hbm>>
      tpu.wait_dma2 semaphore(%run_scoped3A : memref<!tpu.dma_semaphore, #tpu.memory_space<semaphore_mem>>) src(%dma_wait3A_29 : memref<192xi32, #tpu.memory_space<hbm>>) dst(%arg9 : memref<192xi32, #tpu.memory_space<vmem>>)
      tpu.yield
    }) : () -> ()
    %add3A_9 = arith.constant 0 : i32
    %add3A_10 = arith.addi %mul3A_4, %add3A_9 : i32
    "tpu.region"() ({
      %run_scoped3A = tpu.sem_alloc : memref<!tpu.dma_semaphore, #tpu.memory_space<semaphore_mem>>
      %dma_start3A = arith.constant 0 : i32
      %dma_start3A_28 = tpu.memref_slice %arg2[%add3A_10, %dma_start3A] : memref<160000x128xf32, #tpu.memory_space<hbm>> -> memref<192x128xf32, #tpu.memory_space<hbm>>
      %dma_start3A_29 = arith.constant 0 : i32
      %dma_start3A_30 = tpu.memref_slice %arg2[%add3A_10, %dma_start3A_29] : memref<160000x128xf32, #tpu.memory_space<hbm>> -> memref<192x128xf32, #tpu.memory_space<hbm>>
      tpu.enqueue_dma source(%dma_start3A_30 : memref<192x128xf32, #tpu.memory_space<hbm>>) target(%arg7 : memref<192x128xf32, #tpu.memory_space<vmem>>) target_semaphore(%run_scoped3A : memref<!tpu.dma_semaphore, #tpu.memory_space<semaphore_mem>>)
      %dma_wait3A = arith.constant 0 : i32
      %dma_wait3A_31 = tpu.memref_slice %arg2[%add3A_10, %dma_wait3A] : memref<160000x128xf32, #tpu.memory_space<hbm>> -> memref<192x128xf32, #tpu.memory_space<hbm>>
      %dma_wait3A_32 = arith.constant 0 : i32
      %dma_wait3A_33 = tpu.memref_slice %arg2[%add3A_10, %dma_wait3A_32] : memref<160000x128xf32, #tpu.memory_space<hbm>> -> memref<192x128xf32, #tpu.memory_space<hbm>>
      tpu.wait_dma2 semaphore(%run_scoped3A : memref<!tpu.dma_semaphore, #tpu.memory_space<semaphore_mem>>) src(%dma_wait3A_33 : memref<192x128xf32, #tpu.memory_space<hbm>>) dst(%arg7 : memref<192x128xf32, #tpu.memory_space<vmem>>)
      tpu.yield
    }) : () -> ()
    %scan3A = arith.constant 0 : i32
    %scan3A_11 = arith.constant 0 : i32
    %scan3A_12 = arith.constant 13 : i32
    %scan3A_13 = arith.addi %scan3A_11, %scan3A_12 : i32
    %scan3A_14 = arith.constant 1 : i32
    scf.for %scan3A_28 = %scan3A_11 to %scan3A_13 step %scan3A_14  : i32 {
      %dma_start3A = arith.constant 0 : i32
      %dma_start3A_29 = arith.constant 0 : i32
      %dma_start3A_30 = tpu.memref_slice %arg6[%dma_start3A, %dma_start3A_29] : memref<10000x128xf32, #tpu.memory_space<vmem_shared>> -> memref<10000x128xf32, #tpu.memory_space<vmem_shared>>
      tpu.enqueue_indirect_dma source(%arg7 : memref<192x128xf32, #tpu.memory_space<vmem>>) target(%dma_start3A_30 : memref<10000x128xf32, #tpu.memory_space<vmem_shared>>) offsets(%arg9 : memref<192xi32, #tpu.memory_space<vmem>>) semaphore(%arg13 : memref<!tpu.dma_semaphore, #tpu.memory_space<semaphore_mem>>) {add = true}
      %mul3A_31 = arith.constant 2 : i32
      %mul3A_32 = arith.muli %mul3A_31, %scan3A_28 : i32
      %add3A_33 = arith.constant 1 : i32
      %add3A_34 = arith.addi %mul3A_32, %add3A_33 : i32
      %mul3A_35 = arith.constant 192 : i32
      %mul3A_36 = arith.muli %add3A_34, %mul3A_35 : i32
      %add3A_37 = arith.addi %add3A_6, %mul3A_36 : i32
      "tpu.region"() ({
        %run_scoped3A = tpu.sem_alloc : memref<!tpu.dma_semaphore, #tpu.memory_space<semaphore_mem>>
        %dma_start3A_51 = tpu.memref_slice %arg3[%add3A_37] : memref<320000xi32, #tpu.memory_space<hbm>> -> memref<192xi32, #tpu.memory_space<hbm>>
        %dma_start3A_52 = tpu.memref_slice %arg3[%add3A_37] : memref<320000xi32, #tpu.memory_space<hbm>> -> memref<192xi32, #tpu.memory_space<hbm>>
        tpu.enqueue_dma source(%dma_start3A_52 : memref<192xi32, #tpu.memory_space<hbm>>) target(%arg10 : memref<192xi32, #tpu.memory_space<vmem>>) target_semaphore(%run_scoped3A : memref<!tpu.dma_semaphore, #tpu.memory_space<semaphore_mem>>)
        %dma_wait3A_53 = tpu.memref_slice %arg3[%add3A_37] : memref<320000xi32, #tpu.memory_space<hbm>> -> memref<192xi32, #tpu.memory_space<hbm>>
        %dma_wait3A_54 = tpu.memref_slice %arg3[%add3A_37] : memref<320000xi32, #tpu.memory_space<hbm>> -> memref<192xi32, #tpu.memory_space<hbm>>
        tpu.wait_dma2 semaphore(%run_scoped3A : memref<!tpu.dma_semaphore, #tpu.memory_space<semaphore_mem>>) src(%dma_wait3A_54 : memref<192xi32, #tpu.memory_space<hbm>>) dst(%arg10 : memref<192xi32, #tpu.memory_space<vmem>>)
        tpu.yield
      }) : () -> ()
      %mul3A_38 = arith.constant 192 : i32
      %mul3A_39 = arith.muli %add3A_34, %mul3A_38 : i32
      %add3A_40 = arith.addi %mul3A_4, %mul3A_39 : i32
      "tpu.region"() ({
        %run_scoped3A = tpu.sem_alloc : memref<!tpu.dma_semaphore, #tpu.memory_space<semaphore_mem>>
        %dma_start3A_51 = arith.constant 0 : i32
        %dma_start3A_52 = tpu.memref_slice %arg2[%add3A_40, %dma_start3A_51] : memref<160000x128xf32, #tpu.memory_space<hbm>> -> memref<192x128xf32, #tpu.memory_space<hbm>>
        %dma_start3A_53 = arith.constant 0 : i32
        %dma_start3A_54 = tpu.memref_slice %arg2[%add3A_40, %dma_start3A_53] : memref<160000x128xf32, #tpu.memory_space<hbm>> -> memref<192x128xf32, #tpu.memory_space<hbm>>
        tpu.enqueue_dma source(%dma_start3A_54 : memref<192x128xf32, #tpu.memory_space<hbm>>) target(%arg8 : memref<192x128xf32, #tpu.memory_space<vmem>>) target_semaphore(%run_scoped3A : memref<!tpu.dma_semaphore, #tpu.memory_space<semaphore_mem>>)
        %dma_wait3A_55 = arith.constant 0 : i32
        %dma_wait3A_56 = tpu.memref_slice %arg2[%add3A_40, %dma_wait3A_55] : memref<160000x128xf32, #tpu.memory_space<hbm>> -> memref<192x128xf32, #tpu.memory_space<hbm>>
        %dma_wait3A_57 = arith.constant 0 : i32
        %dma_wait3A_58 = tpu.memref_slice %arg2[%add3A_40, %dma_wait3A_57] : memref<160000x128xf32, #tpu.memory_space<hbm>> -> memref<192x128xf32, #tpu.memory_space<hbm>>
        tpu.wait_dma2 semaphore(%run_scoped3A : memref<!tpu.dma_semaphore, #tpu.memory_space<semaphore_mem>>) src(%dma_wait3A_58 : memref<192x128xf32, #tpu.memory_space<hbm>>) dst(%arg8 : memref<192x128xf32, #tpu.memory_space<vmem>>)
        tpu.yield
      }) : () -> ()
      %dma_wait3A = arith.constant 0 : i32
      %dma_wait3A_41 = arith.constant 0 : i32
      %dma_wait3A_42 = tpu.memref_slice %arg6[%dma_wait3A, %dma_wait3A_41] : memref<10000x128xf32, #tpu.memory_space<vmem_shared>> -> memref<10000x128xf32, #tpu.memory_space<vmem_shared>>
      tpu.wait_indirect_dma semaphore(%arg13 : memref<!tpu.dma_semaphore, #tpu.memory_space<semaphore_mem>>) src(%arg7 : memref<192x128xf32, #tpu.memory_space<vmem>>) dst(%dma_wait3A_42 : memref<10000x128xf32, #tpu.memory_space<vmem_shared>>)
      %dma_start3A_43 = arith.constant 0 : i32
      %dma_start3A_44 = arith.constant 0 : i32
      %dma_start3A_45 = tpu.memref_slice %arg6[%dma_start3A_43, %dma_start3A_44] : memref<10000x128xf32, #tpu.memory_space<vmem_shared>> -> memref<10000x128xf32, #tpu.memory_space<vmem_shared>>
      tpu.enqueue_indirect_dma source(%arg8 : memref<192x128xf32, #tpu.memory_space<vmem>>) target(%dma_start3A_45 : memref<10000x128xf32, #tpu.memory_space<vmem_shared>>) offsets(%arg10 : memref<192xi32, #tpu.memory_space<vmem>>) semaphore(%arg14 : memref<!tpu.dma_semaphore, #tpu.memory_space<semaphore_mem>>) {add = true}
      %lt3A = arith.constant 12 : i32
      %lt3A_46 = arith.cmpi slt, %scan3A_28, %lt3A : i32
      %convert_element_type3A = arith.extui %lt3A_46 : i1 to i32
      %cond3A = arith.constant 0 : i32
      %cond3A_47 = arith.cmpi ne, %convert_element_type3A, %cond3A : i32
      scf.if %cond3A_47 {
        %mul3A_51 = arith.constant 2 : i32
        %mul3A_52 = arith.muli %mul3A_51, %scan3A_28 : i32
        %add3A_53 = arith.constant 2 : i32
        %add3A_54 = arith.addi %mul3A_52, %add3A_53 : i32
        %mul3A_55 = arith.constant 192 : i32
        %mul3A_56 = arith.muli %add3A_54, %mul3A_55 : i32
        %add3A_57 = arith.addi %add3A_6, %mul3A_56 : i32
        "tpu.region"() ({
          %run_scoped3A = tpu.sem_alloc : memref<!tpu.dma_semaphore, #tpu.memory_space<semaphore_mem>>
          %dma_start3A_61 = tpu.memref_slice %arg3[%add3A_57] : memref<320000xi32, #tpu.memory_space<hbm>> -> memref<192xi32, #tpu.memory_space<hbm>>
          %dma_start3A_62 = tpu.memref_slice %arg3[%add3A_57] : memref<320000xi32, #tpu.memory_space<hbm>> -> memref<192xi32, #tpu.memory_space<hbm>>
          tpu.enqueue_dma source(%dma_start3A_62 : memref<192xi32, #tpu.memory_space<hbm>>) target(%arg9 : memref<192xi32, #tpu.memory_space<vmem>>) target_semaphore(%run_scoped3A : memref<!tpu.dma_semaphore, #tpu.memory_space<semaphore_mem>>)
          %dma_wait3A_63 = tpu.memref_slice %arg3[%add3A_57] : memref<320000xi32, #tpu.memory_space<hbm>> -> memref<192xi32, #tpu.memory_space<hbm>>
          %dma_wait3A_64 = tpu.memref_slice %arg3[%add3A_57] : memref<320000xi32, #tpu.memory_space<hbm>> -> memref<192xi32, #tpu.memory_space<hbm>>
          tpu.wait_dma2 semaphore(%run_scoped3A : memref<!tpu.dma_semaphore, #tpu.memory_space<semaphore_mem>>) src(%dma_wait3A_64 : memref<192xi32, #tpu.memory_space<hbm>>) dst(%arg9 : memref<192xi32, #tpu.memory_space<vmem>>)
          tpu.yield
        }) : () -> ()
        %mul3A_58 = arith.constant 192 : i32
        %mul3A_59 = arith.muli %add3A_54, %mul3A_58 : i32
        %add3A_60 = arith.addi %mul3A_4, %mul3A_59 : i32
        "tpu.region"() ({
          %run_scoped3A = tpu.sem_alloc : memref<!tpu.dma_semaphore, #tpu.memory_space<semaphore_mem>>
          %dma_start3A_61 = arith.constant 0 : i32
          %dma_start3A_62 = tpu.memref_slice %arg2[%add3A_60, %dma_start3A_61] : memref<160000x128xf32, #tpu.memory_space<hbm>> -> memref<192x128xf32, #tpu.memory_space<hbm>>
          %dma_start3A_63 = arith.constant 0 : i32
          %dma_start3A_64 = tpu.memref_slice %arg2[%add3A_60, %dma_start3A_63] : memref<160000x128xf32, #tpu.memory_space<hbm>> -> memref<192x128xf32, #tpu.memory_space<hbm>>
          tpu.enqueue_dma source(%dma_start3A_64 : memref<192x128xf32, #tpu.memory_space<hbm>>) target(%arg7 : memref<192x128xf32, #tpu.memory_space<vmem>>) target_semaphore(%run_scoped3A : memref<!tpu.dma_semaphore, #tpu.memory_space<semaphore_mem>>)
          %dma_wait3A_65 = arith.constant 0 : i32
          %dma_wait3A_66 = tpu.memref_slice %arg2[%add3A_60, %dma_wait3A_65] : memref<160000x128xf32, #tpu.memory_space<hbm>> -> memref<192x128xf32, #tpu.memory_space<hbm>>
          %dma_wait3A_67 = arith.constant 0 : i32
          %dma_wait3A_68 = tpu.memref_slice %arg2[%add3A_60, %dma_wait3A_67] : memref<160000x128xf32, #tpu.memory_space<hbm>> -> memref<192x128xf32, #tpu.memory_space<hbm>>
          tpu.wait_dma2 semaphore(%run_scoped3A : memref<!tpu.dma_semaphore, #tpu.memory_space<semaphore_mem>>) src(%dma_wait3A_68 : memref<192x128xf32, #tpu.memory_space<hbm>>) dst(%arg7 : memref<192x128xf32, #tpu.memory_space<vmem>>)
          tpu.yield
        }) : () -> ()
      } else {
      }
      %dma_wait3A_48 = arith.constant 0 : i32
      %dma_wait3A_49 = arith.constant 0 : i32
      %dma_wait3A_50 = tpu.memref_slice %arg6[%dma_wait3A_48, %dma_wait3A_49] : memref<10000x128xf32, #tpu.memory_space<vmem_shared>> -> memref<10000x128xf32, #tpu.memory_space<vmem_shared>>
      tpu.wait_indirect_dma semaphore(%arg14 : memref<!tpu.dma_semaphore, #tpu.memory_space<semaphore_mem>>) src(%arg8 : memref<192x128xf32, #tpu.memory_space<vmem>>) dst(%dma_wait3A_50 : memref<10000x128xf32, #tpu.memory_space<vmem_shared>>)
    }
    %scan3A_15 = arith.constant 13 : i32
    %add3A_16 = arith.constant 4992 : i32
    %add3A_17 = arith.addi %add3A_6, %add3A_16 : i32
    "tpu.region"() ({
      %run_scoped3A = tpu.sem_alloc : memref<!tpu.dma_semaphore, #tpu.memory_space<semaphore_mem>>
      %dma_start3A = tpu.memref_slice %arg3[%add3A_17] : memref<320000xi32, #tpu.memory_space<hbm>> -> memref<8xi32, #tpu.memory_space<hbm>>
      %dma_start3A_28 = tpu.memref_slice %arg3[%add3A_17] : memref<320000xi32, #tpu.memory_space<hbm>> -> memref<8xi32, #tpu.memory_space<hbm>>
      tpu.enqueue_dma source(%dma_start3A_28 : memref<8xi32, #tpu.memory_space<hbm>>) target(%arg12 : memref<8xi32, #tpu.memory_space<vmem>>) target_semaphore(%run_scoped3A : memref<!tpu.dma_semaphore, #tpu.memory_space<semaphore_mem>>)
      %dma_wait3A = tpu.memref_slice %arg3[%add3A_17] : memref<320000xi32, #tpu.memory_space<hbm>> -> memref<8xi32, #tpu.memory_space<hbm>>
      %dma_wait3A_29 = tpu.memref_slice %arg3[%add3A_17] : memref<320000xi32, #tpu.memory_space<hbm>> -> memref<8xi32, #tpu.memory_space<hbm>>
      tpu.wait_dma2 semaphore(%run_scoped3A : memref<!tpu.dma_semaphore, #tpu.memory_space<semaphore_mem>>) src(%dma_wait3A_29 : memref<8xi32, #tpu.memory_space<hbm>>) dst(%arg12 : memref<8xi32, #tpu.memory_space<vmem>>)
      tpu.yield
    }) : () -> ()
    %add3A_18 = arith.constant 4992 : i32
    %add3A_19 = arith.addi %mul3A_4, %add3A_18 : i32
    "tpu.region"() ({
      %run_scoped3A = tpu.sem_alloc : memref<!tpu.dma_semaphore, #tpu.memory_space<semaphore_mem>>
      %dma_start3A = arith.constant 0 : i32
      %dma_start3A_28 = tpu.memref_slice %arg2[%add3A_19, %dma_start3A] : memref<160000x128xf32, #tpu.memory_space<hbm>> -> memref<8x128xf32, #tpu.memory_space<hbm>>
      %dma_start3A_29 = arith.constant 0 : i32
      %dma_start3A_30 = tpu.memref_slice %arg2[%add3A_19, %dma_start3A_29] : memref<160000x128xf32, #tpu.memory_space<hbm>> -> memref<8x128xf32, #tpu.memory_space<hbm>>
      tpu.enqueue_dma source(%dma_start3A_30 : memref<8x128xf32, #tpu.memory_space<hbm>>) target(%arg11 : memref<8x128xf32, #tpu.memory_space<vmem>>) target_semaphore(%run_scoped3A : memref<!tpu.dma_semaphore, #tpu.memory_space<semaphore_mem>>)
      %dma_wait3A = arith.constant 0 : i32
      %dma_wait3A_31 = tpu.memref_slice %arg2[%add3A_19, %dma_wait3A] : memref<160000x128xf32, #tpu.memory_space<hbm>> -> memref<8x128xf32, #tpu.memory_space<hbm>>
      %dma_wait3A_32 = arith.constant 0 : i32
      %dma_wait3A_33 = tpu.memref_slice %arg2[%add3A_19, %dma_wait3A_32] : memref<160000x128xf32, #tpu.memory_space<hbm>> -> memref<8x128xf32, #tpu.memory_space<hbm>>
      tpu.wait_dma2 semaphore(%run_scoped3A : memref<!tpu.dma_semaphore, #tpu.memory_space<semaphore_mem>>) src(%dma_wait3A_33 : memref<8x128xf32, #tpu.memory_space<hbm>>) dst(%arg11 : memref<8x128xf32, #tpu.memory_space<vmem>>)
      tpu.yield
    }) : () -> ()
    "tpu.region"() ({
      %run_scoped3A = tpu.sem_alloc : memref<!tpu.dma_semaphore, #tpu.memory_space<semaphore_mem>>
      %dma_start3A = arith.constant 0 : i32
      %dma_start3A_28 = arith.constant 0 : i32
      %dma_start3A_29 = tpu.memref_slice %arg6[%dma_start3A, %dma_start3A_28] : memref<10000x128xf32, #tpu.memory_space<vmem_shared>> -> memref<10000x128xf32, #tpu.memory_space<vmem_shared>>
      tpu.enqueue_indirect_dma source(%arg11 : memref<8x128xf32, #tpu.memory_space<vmem>>) target(%dma_start3A_29 : memref<10000x128xf32, #tpu.memory_space<vmem_shared>>) offsets(%arg12 : memref<8xi32, #tpu.memory_space<vmem>>) semaphore(%run_scoped3A : memref<!tpu.dma_semaphore, #tpu.memory_space<semaphore_mem>>) {add = true}
      %dma_wait3A = arith.constant 0 : i32
      %dma_wait3A_30 = arith.constant 0 : i32
      %dma_wait3A_31 = tpu.memref_slice %arg6[%dma_wait3A, %dma_wait3A_30] : memref<10000x128xf32, #tpu.memory_space<vmem_shared>> -> memref<10000x128xf32, #tpu.memory_space<vmem_shared>>
      tpu.wait_indirect_dma semaphore(%run_scoped3A : memref<!tpu.dma_semaphore, #tpu.memory_space<semaphore_mem>>) src(%arg11 : memref<8x128xf32, #tpu.memory_space<vmem>>) dst(%dma_wait3A_31 : memref<10000x128xf32, #tpu.memory_space<vmem_shared>>)
      tpu.yield
    }) : () -> ()
    %barrier3A_20 = arith.constant 0 : index
    tpu.barrier barrier_id(%barrier3A_20)
    %mul3A_21 = arith.constant 625 : i32
    %mul3A_22 = arith.muli %arg1, %mul3A_21 : i32
    %mul3A_23 = arith.constant 10000 : i32
    %mul3A_24 = arith.muli %arg0, %mul3A_23 : i32
    %mul3A_25 = arith.constant 625 : i32
    %mul3A_26 = arith.muli %arg1, %mul3A_25 : i32
    %add3A_27 = arith.addi %mul3A_24, %mul3A_26 : i32
    "tpu.region"() ({
      %run_scoped3A = tpu.sem_alloc : memref<!tpu.dma_semaphore, #tpu.memory_space<semaphore_mem>>
      %dma_start3A = arith.constant 0 : i32
      %dma_start3A_28 = tpu.memref_slice %arg5[%add3A_27, %dma_start3A] : memref<20000x128xf32, #tpu.memory_space<hbm>> -> memref<625x128xf32, #tpu.memory_space<hbm>>
      %dma_start3A_29 = arith.constant 0 : i32
      %dma_start3A_30 = tpu.memref_slice %arg6[%mul3A_22, %dma_start3A_29] : memref<10000x128xf32, #tpu.memory_space<vmem_shared>> -> memref<625x128xf32, #tpu.memory_space<vmem_shared>>
      tpu.enqueue_dma source(%dma_start3A_30 : memref<625x128xf32, #tpu.memory_space<vmem_shared>>) target(%dma_start3A_28 : memref<625x128xf32, #tpu.memory_space<hbm>>) target_semaphore(%run_scoped3A : memref<!tpu.dma_semaphore, #tpu.memory_space<semaphore_mem>>)
      %dma_wait3A = arith.constant 0 : i32
      %dma_wait3A_31 = tpu.memref_slice %arg5[%add3A_27, %dma_wait3A] : memref<20000x128xf32, #tpu.memory_space<hbm>> -> memref<625x128xf32, #tpu.memory_space<hbm>>
      %dma_wait3A_32 = arith.constant 0 : i32
      %dma_wait3A_33 = tpu.memref_slice %arg6[%mul3A_22, %dma_wait3A_32] : memref<10000x128xf32, #tpu.memory_space<vmem_shared>> -> memref<625x128xf32, #tpu.memory_space<vmem_shared>>
      tpu.wait_dma2 semaphore(%run_scoped3A : memref<!tpu.dma_semaphore, #tpu.memory_space<semaphore_mem>>) src(%dma_wait3A_33 : memref<625x128xf32, #tpu.memory_space<vmem_shared>>) dst(%dma_wait3A_31 : memref<625x128xf32, #tpu.memory_space<hbm>>)
      tpu.yield
    }) : () -> ()
    return
  }
}

#map = affine_map<(d0, d1) -> (0, 0)>
#map1 = affine_map<(d0, d1) -> (0)>
module attributes {stable_mosaic.version = 14 : i64} {
  func.func @body_fn(%arg0: i32, %arg1: i32, %arg2: memref<160000x128xf32, #tpu.memory_space<hbm>>, %arg3: memref<320000xi32, #tpu.memory_space<hbm>>, %arg4: memref<625x128xf32, #tpu.memory_space<hbm>>, %arg5: memref<20000x128xf32, #tpu.memory_space<hbm>>, %arg6: memref<10000x128xf32, #tpu.memory_space<vmem_shared>>, %arg7: memref<192x128xf32, #tpu.memory_space<vmem>>, %arg8: memref<192x128xf32, #tpu.memory_space<vmem>>, %arg9: memref<192xi32, #tpu.memory_space<vmem>>, %arg10: memref<192xi32, #tpu.memory_space<vmem>>, %arg11: memref<8x128xf32, #tpu.memory_space<vmem>>, %arg12: memref<8xi32, #tpu.memory_space<vmem>>, %arg13: memref<!tpu.dma_semaphore, #tpu.memory_space<semaphore_mem>>, %arg14: memref<!tpu.dma_semaphore, #tpu.memory_space<semaphore_mem>>) attributes {dimension_semantics = [#tpu.dimension_semantics<core_parallel>, #tpu.dimension_semantics<subcore_parallel>], iteration_bounds = array<i64: 2, 16>, scalar_prefetch = 0 : i64, scratch_operands = 9 : i64, tpu.core_type = #tpu.core_type<sc_vector_subcore>, window_params = [{transform_indices = #map}, {transform_indices = #map1}, {transform_indices = #map}, {transform_indices = #map}]} {
    %mul3A = arith.constant 625 : i32
    %mul3A_0 = arith.muli %arg1, %mul3A : i32
    "tpu.region"() ({
      %run_scoped3A = tpu.sem_alloc : memref<!tpu.dma_semaphore, #tpu.memory_space<semaphore_mem>>
      %dma_start3A = arith.constant 0 : i32
      %dma_start3A_28 = tpu.memref_slice %arg6[%mul3A_0, %dma_start3A] : memref<10000x128xf32, #tpu.memory_space<vmem_shared>> -> memref<625x128xf32, #tpu.memory_space<vmem_shared>>
      tpu.enqueue_dma source(%arg4 : memref<625x128xf32, #tpu.memory_space<hbm>>) target(%dma_start3A_28 : memref<625x128xf32, #tpu.memory_space<vmem_shared>>) target_semaphore(%run_scoped3A : memref<!tpu.dma_semaphore, #tpu.memory_space<semaphore_mem>>)
      %dma_wait3A = arith.constant 0 : i32
      %dma_wait3A_29 = tpu.memref_slice %arg6[%mul3A_0, %dma_wait3A] : memref<10000x128xf32, #tpu.memory_space<vmem_shared>> -> memref<625x128xf32, #tpu.memory_space<vmem_shared>>
      tpu.wait_dma2 semaphore(%run_scoped3A : memref<!tpu.dma_semaphore, #tpu.memory_space<semaphore_mem>>) src(%arg4 : memref<625x128xf32, #tpu.memory_space<hbm>>) dst(%dma_wait3A_29 : memref<625x128xf32, #tpu.memory_space<vmem_shared>>)
      tpu.yield
    }) : () -> ()
    %barrier3A = arith.constant 0 : index
    tpu.barrier barrier_id(%barrier3A)
    %mul3A_1 = arith.constant 2 : i32
    %mul3A_2 = arith.muli %arg1, %mul3A_1 : i32
    %add3A = arith.addi %mul3A_2, %arg0 : i32
    %mul3A_3 = arith.constant 5000 : i32
    %mul3A_4 = arith.muli %add3A, %mul3A_3 : i32
    %add3A_5 = arith.constant 0 : i32
    %add3A_6 = arith.addi %add3A_5, %mul3A_4 : i32
    %add3A_7 = arith.constant 0 : i32
    %add3A_8 = arith.addi %add3A_6, %add3A_7 : i32
    "tpu.region"() ({
      %run_scoped3A = tpu.sem_alloc : memref<!tpu.dma_semaphore, #tpu.memory_space<semaphore_mem>>
      %dma_start3A = tpu.memref_slice %arg3[%add3A_8] : memref<320000xi32, #tpu.memory_space<hbm>> -> memref<192xi32, #tpu.memory_space<hbm>>
      %dma_start3A_28 = tpu.memref_slice %arg3[%add3A_8] : memref<320000xi32, #tpu.memory_space<hbm>> -> memref<192xi32, #tpu.memory_space<hbm>>
      tpu.enqueue_dma source(%dma_start3A_28 : memref<192xi32, #tpu.memory_space<hbm>>) target(%arg9 : memref<192xi32, #tpu.memory_space<vmem>>) target_semaphore(%run_scoped3A : memref<!tpu.dma_semaphore, #tpu.memory_space<semaphore_mem>>)
      %dma_wait3A = tpu.memref_slice %arg3[%add3A_8] : memref<320000xi32, #tpu.memory_space<hbm>> -> memref<192xi32, #tpu.memory_space<hbm>>
      %dma_wait3A_29 = tpu.memref_slice %arg3[%add3A_8] : memref<320000xi32, #tpu.memory_space<hbm>> -> memref<192xi32, #tpu.memory_space<hbm>>
      tpu.wait_dma2 semaphore(%run_scoped3A : memref<!tpu.dma_semaphore, #tpu.memory_space<semaphore_mem>>) src(%dma_wait3A_29 : memref<192xi32, #tpu.memory_space<hbm>>) dst(%arg9 : memref<192xi32, #tpu.memory_space<vmem>>)
      tpu.yield
    }) : () -> ()
    %add3A_9 = arith.constant 0 : i32
    %add3A_10 = arith.addi %mul3A_4, %add3A_9 : i32
    "tpu.region"() ({
      %run_scoped3A = tpu.sem_alloc : memref<!tpu.dma_semaphore, #tpu.memory_space<semaphore_mem>>
      %dma_start3A = arith.constant 0 : i32
      %dma_start3A_28 = tpu.memref_slice %arg2[%add3A_10, %dma_start3A] : memref<160000x128xf32, #tpu.memory_space<hbm>> -> memref<192x128xf32, #tpu.memory_space<hbm>>
      %dma_start3A_29 = arith.constant 0 : i32
      %dma_start3A_30 = tpu.memref_slice %arg2[%add3A_10, %dma_start3A_29] : memref<160000x128xf32, #tpu.memory_space<hbm>> -> memref<192x128xf32, #tpu.memory_space<hbm>>
      tpu.enqueue_dma source(%dma_start3A_30 : memref<192x128xf32, #tpu.memory_space<hbm>>) target(%arg7 : memref<192x128xf32, #tpu.memory_space<vmem>>) target_semaphore(%run_scoped3A : memref<!tpu.dma_semaphore, #tpu.memory_space<semaphore_mem>>)
      %dma_wait3A = arith.constant 0 : i32
      %dma_wait3A_31 = tpu.memref_slice %arg2[%add3A_10, %dma_wait3A] : memref<160000x128xf32, #tpu.memory_space<hbm>> -> memref<192x128xf32, #tpu.memory_space<hbm>>
      %dma_wait3A_32 = arith.constant 0 : i32
      %dma_wait3A_33 = tpu.memref_slice %arg2[%add3A_10, %dma_wait3A_32] : memref<160000x128xf32, #tpu.memory_space<hbm>> -> memref<192x128xf32, #tpu.memory_space<hbm>>
      tpu.wait_dma2 semaphore(%run_scoped3A : memref<!tpu.dma_semaphore, #tpu.memory_space<semaphore_mem>>) src(%dma_wait3A_33 : memref<192x128xf32, #tpu.memory_space<hbm>>) dst(%arg7 : memref<192x128xf32, #tpu.memory_space<vmem>>)
      tpu.yield
    }) : () -> ()
    %scan3A = arith.constant 0 : i32
    %scan3A_11 = arith.constant 0 : i32
    %scan3A_12 = arith.constant 13 : i32
    %scan3A_13 = arith.addi %scan3A_11, %scan3A_12 : i32
    %scan3A_14 = arith.constant 1 : i32
    scf.for %scan3A_28 = %scan3A_11 to %scan3A_13 step %scan3A_14  : i32 {
      %dma_start3A = arith.constant 0 : i32
      %dma_start3A_29 = arith.constant 0 : i32
      %dma_start3A_30 = tpu.memref_slice %arg6[%dma_start3A, %dma_start3A_29] : memref<10000x128xf32, #tpu.memory_space<vmem_shared>> -> memref<10000x128xf32, #tpu.memory_space<vmem_shared>>
      tpu.enqueue_indirect_dma source(%arg7 : memref<192x128xf32, #tpu.memory_space<vmem>>) target(%dma_start3A_30 : memref<10000x128xf32, #tpu.memory_space<vmem_shared>>) offsets(%arg9 : memref<192xi32, #tpu.memory_space<vmem>>) semaphore(%arg13 : memref<!tpu.dma_semaphore, #tpu.memory_space<semaphore_mem>>) {add = true}
      %mul3A_31 = arith.constant 2 : i32
      %mul3A_32 = arith.muli %mul3A_31, %scan3A_28 : i32
      %add3A_33 = arith.constant 1 : i32
      %add3A_34 = arith.addi %mul3A_32, %add3A_33 : i32
      %mul3A_35 = arith.constant 192 : i32
      %mul3A_36 = arith.muli %add3A_34, %mul3A_35 : i32
      %add3A_37 = arith.addi %add3A_6, %mul3A_36 : i32
      "tpu.region"() ({
        %run_scoped3A = tpu.sem_alloc : memref<!tpu.dma_semaphore, #tpu.memory_space<semaphore_mem>>
        %dma_start3A_51 = tpu.memref_slice %arg3[%add3A_37] : memref<320000xi32, #tpu.memory_space<hbm>> -> memref<192xi32, #tpu.memory_space<hbm>>
        %dma_start3A_52 = tpu.memref_slice %arg3[%add3A_37] : memref<320000xi32, #tpu.memory_space<hbm>> -> memref<192xi32, #tpu.memory_space<hbm>>
        tpu.enqueue_dma source(%dma_start3A_52 : memref<192xi32, #tpu.memory_space<hbm>>) target(%arg10 : memref<192xi32, #tpu.memory_space<vmem>>) target_semaphore(%run_scoped3A : memref<!tpu.dma_semaphore, #tpu.memory_space<semaphore_mem>>)
        %dma_wait3A_53 = tpu.memref_slice %arg3[%add3A_37] : memref<320000xi32, #tpu.memory_space<hbm>> -> memref<192xi32, #tpu.memory_space<hbm>>
        %dma_wait3A_54 = tpu.memref_slice %arg3[%add3A_37] : memref<320000xi32, #tpu.memory_space<hbm>> -> memref<192xi32, #tpu.memory_space<hbm>>
        tpu.wait_dma2 semaphore(%run_scoped3A : memref<!tpu.dma_semaphore, #tpu.memory_space<semaphore_mem>>) src(%dma_wait3A_54 : memref<192xi32, #tpu.memory_space<hbm>>) dst(%arg10 : memref<192xi32, #tpu.memory_space<vmem>>)
        tpu.yield
      }) : () -> ()
      %mul3A_38 = arith.constant 192 : i32
      %mul3A_39 = arith.muli %add3A_34, %mul3A_38 : i32
      %add3A_40 = arith.addi %mul3A_4, %mul3A_39 : i32
      "tpu.region"() ({
        %run_scoped3A = tpu.sem_alloc : memref<!tpu.dma_semaphore, #tpu.memory_space<semaphore_mem>>
        %dma_start3A_51 = arith.constant 0 : i32
        %dma_start3A_52 = tpu.memref_slice %arg2[%add3A_40, %dma_start3A_51] : memref<160000x128xf32, #tpu.memory_space<hbm>> -> memref<192x128xf32, #tpu.memory_space<hbm>>
        %dma_start3A_53 = arith.constant 0 : i32
        %dma_start3A_54 = tpu.memref_slice %arg2[%add3A_40, %dma_start3A_53] : memref<160000x128xf32, #tpu.memory_space<hbm>> -> memref<192x128xf32, #tpu.memory_space<hbm>>
        tpu.enqueue_dma source(%dma_start3A_54 : memref<192x128xf32, #tpu.memory_space<hbm>>) target(%arg8 : memref<192x128xf32, #tpu.memory_space<vmem>>) target_semaphore(%run_scoped3A : memref<!tpu.dma_semaphore, #tpu.memory_space<semaphore_mem>>)
        %dma_wait3A_55 = arith.constant 0 : i32
        %dma_wait3A_56 = tpu.memref_slice %arg2[%add3A_40, %dma_wait3A_55] : memref<160000x128xf32, #tpu.memory_space<hbm>> -> memref<192x128xf32, #tpu.memory_space<hbm>>
        %dma_wait3A_57 = arith.constant 0 : i32
        %dma_wait3A_58 = tpu.memref_slice %arg2[%add3A_40, %dma_wait3A_57] : memref<160000x128xf32, #tpu.memory_space<hbm>> -> memref<192x128xf32, #tpu.memory_space<hbm>>
        tpu.wait_dma2 semaphore(%run_scoped3A : memref<!tpu.dma_semaphore, #tpu.memory_space<semaphore_mem>>) src(%dma_wait3A_58 : memref<192x128xf32, #tpu.memory_space<hbm>>) dst(%arg8 : memref<192x128xf32, #tpu.memory_space<vmem>>)
        tpu.yield
      }) : () -> ()
      %dma_wait3A = arith.constant 0 : i32
      %dma_wait3A_41 = arith.constant 0 : i32
      %dma_wait3A_42 = tpu.memref_slice %arg6[%dma_wait3A, %dma_wait3A_41] : memref<10000x128xf32, #tpu.memory_space<vmem_shared>> -> memref<10000x128xf32, #tpu.memory_space<vmem_shared>>
      tpu.wait_indirect_dma semaphore(%arg13 : memref<!tpu.dma_semaphore, #tpu.memory_space<semaphore_mem>>) src(%arg7 : memref<192x128xf32, #tpu.memory_space<vmem>>) dst(%dma_wait3A_42 : memref<10000x128xf32, #tpu.memory_space<vmem_shared>>)
      %dma_start3A_43 = arith.constant 0 : i32
      %dma_start3A_44 = arith.constant 0 : i32
      %dma_start3A_45 = tpu.memref_slice %arg6[%dma_start3A_43, %dma_start3A_44] : memref<10000x128xf32, #tpu.memory_space<vmem_shared>> -> memref<10000x128xf32, #tpu.memory_space<vmem_shared>>
      tpu.enqueue_indirect_dma source(%arg8 : memref<192x128xf32, #tpu.memory_space<vmem>>) target(%dma_start3A_45 : memref<10000x128xf32, #tpu.memory_space<vmem_shared>>) offsets(%arg10 : memref<192xi32, #tpu.memory_space<vmem>>) semaphore(%arg14 : memref<!tpu.dma_semaphore, #tpu.memory_space<semaphore_mem>>) {add = true}
      %lt3A = arith.constant 12 : i32
      %lt3A_46 = arith.cmpi slt, %scan3A_28, %lt3A : i32
      %convert_element_type3A = arith.extui %lt3A_46 : i1 to i32
      %cond3A = arith.constant 0 : i32
      %cond3A_47 = arith.cmpi ne, %convert_element_type3A, %cond3A : i32
      scf.if %cond3A_47 {
        %mul3A_51 = arith.constant 2 : i32
        %mul3A_52 = arith.muli %mul3A_51, %scan3A_28 : i32
        %add3A_53 = arith.constant 2 : i32
        %add3A_54 = arith.addi %mul3A_52, %add3A_53 : i32
        %mul3A_55 = arith.constant 192 : i32
        %mul3A_56 = arith.muli %add3A_54, %mul3A_55 : i32
        %add3A_57 = arith.addi %add3A_6, %mul3A_56 : i32
        "tpu.region"() ({
          %run_scoped3A = tpu.sem_alloc : memref<!tpu.dma_semaphore, #tpu.memory_space<semaphore_mem>>
          %dma_start3A_61 = tpu.memref_slice %arg3[%add3A_57] : memref<320000xi32, #tpu.memory_space<hbm>> -> memref<192xi32, #tpu.memory_space<hbm>>
          %dma_start3A_62 = tpu.memref_slice %arg3[%add3A_57] : memref<320000xi32, #tpu.memory_space<hbm>> -> memref<192xi32, #tpu.memory_space<hbm>>
          tpu.enqueue_dma source(%dma_start3A_62 : memref<192xi32, #tpu.memory_space<hbm>>) target(%arg9 : memref<192xi32, #tpu.memory_space<vmem>>) target_semaphore(%run_scoped3A : memref<!tpu.dma_semaphore, #tpu.memory_space<semaphore_mem>>)
          %dma_wait3A_63 = tpu.memref_slice %arg3[%add3A_57] : memref<320000xi32, #tpu.memory_space<hbm>> -> memref<192xi32, #tpu.memory_space<hbm>>
          %dma_wait3A_64 = tpu.memref_slice %arg3[%add3A_57] : memref<320000xi32, #tpu.memory_space<hbm>> -> memref<192xi32, #tpu.memory_space<hbm>>
          tpu.wait_dma2 semaphore(%run_scoped3A : memref<!tpu.dma_semaphore, #tpu.memory_space<semaphore_mem>>) src(%dma_wait3A_64 : memref<192xi32, #tpu.memory_space<hbm>>) dst(%arg9 : memref<192xi32, #tpu.memory_space<vmem>>)
          tpu.yield
        }) : () -> ()
        %mul3A_58 = arith.constant 192 : i32
        %mul3A_59 = arith.muli %add3A_54, %mul3A_58 : i32
        %add3A_60 = arith.addi %mul3A_4, %mul3A_59 : i32
        "tpu.region"() ({
          %run_scoped3A = tpu.sem_alloc : memref<!tpu.dma_semaphore, #tpu.memory_space<semaphore_mem>>
          %dma_start3A_61 = arith.constant 0 : i32
          %dma_start3A_62 = tpu.memref_slice %arg2[%add3A_60, %dma_start3A_61] : memref<160000x128xf32, #tpu.memory_space<hbm>> -> memref<192x128xf32, #tpu.memory_space<hbm>>
          %dma_start3A_63 = arith.constant 0 : i32
          %dma_start3A_64 = tpu.memref_slice %arg2[%add3A_60, %dma_start3A_63] : memref<160000x128xf32, #tpu.memory_space<hbm>> -> memref<192x128xf32, #tpu.memory_space<hbm>>
          tpu.enqueue_dma source(%dma_start3A_64 : memref<192x128xf32, #tpu.memory_space<hbm>>) target(%arg7 : memref<192x128xf32, #tpu.memory_space<vmem>>) target_semaphore(%run_scoped3A : memref<!tpu.dma_semaphore, #tpu.memory_space<semaphore_mem>>)
          %dma_wait3A_65 = arith.constant 0 : i32
          %dma_wait3A_66 = tpu.memref_slice %arg2[%add3A_60, %dma_wait3A_65] : memref<160000x128xf32, #tpu.memory_space<hbm>> -> memref<192x128xf32, #tpu.memory_space<hbm>>
          %dma_wait3A_67 = arith.constant 0 : i32
          %dma_wait3A_68 = tpu.memref_slice %arg2[%add3A_60, %dma_wait3A_67] : memref<160000x128xf32, #tpu.memory_space<hbm>> -> memref<192x128xf32, #tpu.memory_space<hbm>>
          tpu.wait_dma2 semaphore(%run_scoped3A : memref<!tpu.dma_semaphore, #tpu.memory_space<semaphore_mem>>) src(%dma_wait3A_68 : memref<192x128xf32, #tpu.memory_space<hbm>>) dst(%arg7 : memref<192x128xf32, #tpu.memory_space<vmem>>)
          tpu.yield
        }) : () -> ()
      } else {
      }
      %dma_wait3A_48 = arith.constant 0 : i32
      %dma_wait3A_49 = arith.constant 0 : i32
      %dma_wait3A_50 = tpu.memref_slice %arg6[%dma_wait3A_48, %dma_wait3A_49] : memref<10000x128xf32, #tpu.memory_space<vmem_shared>> -> memref<10000x128xf32, #tpu.memory_space<vmem_shared>>
      tpu.wait_indirect_dma semaphore(%arg14 : memref<!tpu.dma_semaphore, #tpu.memory_space<semaphore_mem>>) src(%arg8 : memref<192x128xf32, #tpu.memory_space<vmem>>) dst(%dma_wait3A_50 : memref<10000x128xf32, #tpu.memory_space<vmem_shared>>)
    }
    %scan3A_15 = arith.constant 13 : i32
    %add3A_16 = arith.constant 4992 : i32
    %add3A_17 = arith.addi %add3A_6, %add3A_16 : i32
    "tpu.region"() ({
      %run_scoped3A = tpu.sem_alloc : memref<!tpu.dma_semaphore, #tpu.memory_space<semaphore_mem>>
      %dma_start3A = tpu.memref_slice %arg3[%add3A_17] : memref<320000xi32, #tpu.memory_space<hbm>> -> memref<8xi32, #tpu.memory_space<hbm>>
      %dma_start3A_28 = tpu.memref_slice %arg3[%add3A_17] : memref<320000xi32, #tpu.memory_space<hbm>> -> memref<8xi32, #tpu.memory_space<hbm>>
      tpu.enqueue_dma source(%dma_start3A_28 : memref<8xi32, #tpu.memory_space<hbm>>) target(%arg12 : memref<8xi32, #tpu.memory_space<vmem>>) target_semaphore(%run_scoped3A : memref<!tpu.dma_semaphore, #tpu.memory_space<semaphore_mem>>)
      %dma_wait3A = tpu.memref_slice %arg3[%add3A_17] : memref<320000xi32, #tpu.memory_space<hbm>> -> memref<8xi32, #tpu.memory_space<hbm>>
      %dma_wait3A_29 = tpu.memref_slice %arg3[%add3A_17] : memref<320000xi32, #tpu.memory_space<hbm>> -> memref<8xi32, #tpu.memory_space<hbm>>
      tpu.wait_dma2 semaphore(%run_scoped3A : memref<!tpu.dma_semaphore, #tpu.memory_space<semaphore_mem>>) src(%dma_wait3A_29 : memref<8xi32, #tpu.memory_space<hbm>>) dst(%arg12 : memref<8xi32, #tpu.memory_space<vmem>>)
      tpu.yield
    }) : () -> ()
    %add3A_18 = arith.constant 4992 : i32
    %add3A_19 = arith.addi %mul3A_4, %add3A_18 : i32
    "tpu.region"() ({
      %run_scoped3A = tpu.sem_alloc : memref<!tpu.dma_semaphore, #tpu.memory_space<semaphore_mem>>
      %dma_start3A = arith.constant 0 : i32
      %dma_start3A_28 = tpu.memref_slice %arg2[%add3A_19, %dma_start3A] : memref<160000x128xf32, #tpu.memory_space<hbm>> -> memref<8x128xf32, #tpu.memory_space<hbm>>
      %dma_start3A_29 = arith.constant 0 : i32
      %dma_start3A_30 = tpu.memref_slice %arg2[%add3A_19, %dma_start3A_29] : memref<160000x128xf32, #tpu.memory_space<hbm>> -> memref<8x128xf32, #tpu.memory_space<hbm>>
      tpu.enqueue_dma source(%dma_start3A_30 : memref<8x128xf32, #tpu.memory_space<hbm>>) target(%arg11 : memref<8x128xf32, #tpu.memory_space<vmem>>) target_semaphore(%run_scoped3A : memref<!tpu.dma_semaphore, #tpu.memory_space<semaphore_mem>>)
      %dma_wait3A = arith.constant 0 : i32
      %dma_wait3A_31 = tpu.memref_slice %arg2[%add3A_19, %dma_wait3A] : memref<160000x128xf32, #tpu.memory_space<hbm>> -> memref<8x128xf32, #tpu.memory_space<hbm>>
      %dma_wait3A_32 = arith.constant 0 : i32
      %dma_wait3A_33 = tpu.memref_slice %arg2[%add3A_19, %dma_wait3A_32] : memref<160000x128xf32, #tpu.memory_space<hbm>> -> memref<8x128xf32, #tpu.memory_space<hbm>>
      tpu.wait_dma2 semaphore(%run_scoped3A : memref<!tpu.dma_semaphore, #tpu.memory_space<semaphore_mem>>) src(%dma_wait3A_33 : memref<8x128xf32, #tpu.memory_space<hbm>>) dst(%arg11 : memref<8x128xf32, #tpu.memory_space<vmem>>)
      tpu.yield
    }) : () -> ()
    "tpu.region"() ({
      %run_scoped3A = tpu.sem_alloc : memref<!tpu.dma_semaphore, #tpu.memory_space<semaphore_mem>>
      %dma_start3A = arith.constant 0 : i32
      %dma_start3A_28 = arith.constant 0 : i32
      %dma_start3A_29 = tpu.memref_slice %arg6[%dma_start3A, %dma_start3A_28] : memref<10000x128xf32, #tpu.memory_space<vmem_shared>> -> memref<10000x128xf32, #tpu.memory_space<vmem_shared>>
      tpu.enqueue_indirect_dma source(%arg11 : memref<8x128xf32, #tpu.memory_space<vmem>>) target(%dma_start3A_29 : memref<10000x128xf32, #tpu.memory_space<vmem_shared>>) offsets(%arg12 : memref<8xi32, #tpu.memory_space<vmem>>) semaphore(%run_scoped3A : memref<!tpu.dma_semaphore, #tpu.memory_space<semaphore_mem>>) {add = true}
      %dma_wait3A = arith.constant 0 : i32
      %dma_wait3A_30 = arith.constant 0 : i32
      %dma_wait3A_31 = tpu.memref_slice %arg6[%dma_wait3A, %dma_wait3A_30] : memref<10000x128xf32, #tpu.memory_space<vmem_shared>> -> memref<10000x128xf32, #tpu.memory_space<vmem_shared>>
      tpu.wait_indirect_dma semaphore(%run_scoped3A : memref<!tpu.dma_semaphore, #tpu.memory_space<semaphore_mem>>) src(%arg11 : memref<8x128xf32, #tpu.memory_space<vmem>>) dst(%dma_wait3A_31 : memref<10000x128xf32, #tpu.memory_space<vmem_shared>>)
      tpu.yield
    }) : () -> ()
    %barrier3A_20 = arith.constant 0 : index
    tpu.barrier barrier_id(%barrier3A_20)
    %mul3A_21 = arith.constant 625 : i32
    %mul3A_22 = arith.muli %arg1, %mul3A_21 : i32
    %mul3A_23 = arith.constant 10000 : i32
    %mul3A_24 = arith.muli %arg0, %mul3A_23 : i32
    %mul3A_25 = arith.constant 625 : i32
    %mul3A_26 = arith.muli %arg1, %mul3A_25 : i32
    %add3A_27 = arith.addi %mul3A_24, %mul3A_26 : i32
    "tpu.region"() ({
      %run_scoped3A = tpu.sem_alloc : memref<!tpu.dma_semaphore, #tpu.memory_space<semaphore_mem>>
      %dma_start3A = arith.constant 0 : i32
      %dma_start3A_28 = tpu.memref_slice %arg5[%add3A_27, %dma_start3A] : memref<20000x128xf32, #tpu.memory_space<hbm>> -> memref<625x128xf32, #tpu.memory_space<hbm>>
      %dma_start3A_29 = arith.constant 0 : i32
      %dma_start3A_30 = tpu.memref_slice %arg6[%mul3A_22, %dma_start3A_29] : memref<10000x128xf32, #tpu.memory_space<vmem_shared>> -> memref<625x128xf32, #tpu.memory_space<vmem_shared>>
      tpu.enqueue_dma source(%dma_start3A_30 : memref<625x128xf32, #tpu.memory_space<vmem_shared>>) target(%dma_start3A_28 : memref<625x128xf32, #tpu.memory_space<hbm>>) target_semaphore(%run_scoped3A : memref<!tpu.dma_semaphore, #tpu.memory_space<semaphore_mem>>)
      %dma_wait3A = arith.constant 0 : i32
      %dma_wait3A_31 = tpu.memref_slice %arg5[%add3A_27, %dma_wait3A] : memref<20000x128xf32, #tpu.memory_space<hbm>> -> memref<625x128xf32, #tpu.memory_space<hbm>>
      %dma_wait3A_32 = arith.constant 0 : i32
      %dma_wait3A_33 = tpu.memref_slice %arg6[%mul3A_22, %dma_wait3A_32] : memref<10000x128xf32, #tpu.memory_space<vmem_shared>> -> memref<625x128xf32, #tpu.memory_space<vmem_shared>>
      tpu.wait_dma2 semaphore(%run_scoped3A : memref<!tpu.dma_semaphore, #tpu.memory_space<semaphore_mem>>) src(%dma_wait3A_33 : memref<625x128xf32, #tpu.memory_space<vmem_shared>>) dst(%dma_wait3A_31 : memref<625x128xf32, #tpu.memory_space<hbm>>)
      tpu.yield
    }) : () -> ()
    return
  }
}

module attributes {stable_mosaic.version = 14 : i64} {
  func.func @_mlp_body(%arg0: i32, %arg1: memref<1x1x6400xf32, #tpu.memory_space<vmem>>, %arg2: memref<64x1xf32, #tpu.memory_space<vmem>>, %arg3: memref<1x1xf32, #tpu.memory_space<vmem>>, %arg4: memref<64x64xf32, #tpu.memory_space<vmem>>, %arg5: memref<64x1xf32, #tpu.memory_space<vmem>>, %arg6: memref<128x64xf32, #tpu.memory_space<vmem>>, %arg7: memref<1x128xf32, #tpu.memory_space<vmem>>, %arg8: memref<6400x128xf32, #tpu.memory_space<vmem>>) attributes {dimension_semantics = [#tpu.dimension_semantics<arbitrary>], iteration_bounds = array<i64: 25>, scalar_prefetch = 0 : i64, scratch_operands = 0 : i64, tpu.core_type = #tpu.core_type<tc>, window_params = [{transform_indices = @transform_0, window_bounds = array<i64: 1, 1, 6400>}, {pipeline_mode = #tpu.pipeline_mode<synchronous>, transform_indices = @transform_1, window_bounds = array<i64: 64, 1>}, {pipeline_mode = #tpu.pipeline_mode<synchronous>, transform_indices = @transform_2, window_bounds = array<i64: 1, 1>}, {pipeline_mode = #tpu.pipeline_mode<synchronous>, transform_indices = @transform_3, window_bounds = array<i64: 64, 64>}, {pipeline_mode = #tpu.pipeline_mode<synchronous>, transform_indices = @transform_4, window_bounds = array<i64: 64, 1>}, {pipeline_mode = #tpu.pipeline_mode<synchronous>, transform_indices = @transform_5, window_bounds = array<i64: 128, 64>}, {pipeline_mode = #tpu.pipeline_mode<synchronous>, transform_indices = @transform_6, window_bounds = array<i64: 1, 128>}, {transform_indices = @transform_7, window_bounds = array<i64: 6400, 128>}]} {
    %get3A = arith.constant 0 : index
    %get3A_0 = arith.constant 0 : index
    %get3A_1 = arith.constant 0 : index
    %get3A_2 = vector.load %arg1[%get3A, %get3A_0, %get3A_1] : memref<1x1x6400xf32, #tpu.memory_space<vmem>>, vector<1x1x6400xf32>
    %get3A_3 = vector.shape_cast %get3A_2 : vector<1x1x6400xf32> to vector<1x6400xf32>
    %sqrt3A = math.sqrt %get3A_3 : vector<1x6400xf32>
    %get3A_4 = arith.constant 0 : index
    %get3A_5 = arith.constant 0 : index
    %get3A_6 = vector.load %arg3[%get3A_4, %get3A_5] : memref<1x1xf32, #tpu.memory_space<vmem>>, vector<1x1xf32>
    %get3A_7 = vector.extract %get3A_6[0, 0] : f32 from vector<1x1xf32>
    %get3A_8 = arith.constant 0 : index
    %get3A_9 = arith.constant 0 : index
    %get3A_10 = vector.load %arg2[%get3A_8, %get3A_9] : memref<64x1xf32, #tpu.memory_space<vmem>>, vector<64x1xf32>
    %sub3A = vector.broadcast %sqrt3A : vector<1x6400xf32> to vector<64x6400xf32>
    %sub3A_11 = vector.broadcast %get3A_10 : vector<64x1xf32> to vector<64x6400xf32>
    %sub3A_12 = arith.subf %sub3A, %sub3A_11 : vector<64x6400xf32>
    %neg3A = arith.constant 0.000000e+00 : f32
    %neg3A_13 = arith.subf %neg3A, %get3A_7 : f32
    %mul3A = vector.broadcast %neg3A_13 : f32 to vector<64x6400xf32>
    %mul3A_14 = arith.mulf %mul3A, %sub3A_12 : vector<64x6400xf32>
    %mul3A_15 = arith.mulf %mul3A_14, %sub3A_12 : vector<64x6400xf32>
    %exp3A = math.exp %mul3A_15 : vector<64x6400xf32>
    %get3A_16 = arith.constant 0 : index
    %get3A_17 = arith.constant 0 : index
    %get3A_18 = vector.load %arg4[%get3A_16, %get3A_17] : memref<64x64xf32, #tpu.memory_space<vmem>>, vector<64x64xf32>
    %dot_general3A = arith.constant dense<0.000000e+00> : vector<64x6400xf32>
    %dot_general3A_19 = tpu.matmul %get3A_18, %exp3A, %dot_general3A {dimension_numbers = #tpu.dot_dimension_numbers<[1], [0], [0], [1], [0, 0, 1, 1], [], []>, transpose_lhs_hint = false} : vector<64x64xf32>, vector<64x6400xf32>, vector<64x6400xf32> -> vector<64x6400xf32>
    %get3A_20 = arith.constant 0 : index
    %get3A_21 = arith.constant 0 : index
    %get3A_22 = vector.load %arg5[%get3A_20, %get3A_21] : memref<64x1xf32, #tpu.memory_space<vmem>>, vector<64x1xf32>
    %add3A = vector.broadcast %get3A_22 : vector<64x1xf32> to vector<64x6400xf32>
    %add3A_23 = arith.addf %dot_general3A_19, %add3A : vector<64x6400xf32>
    %exp3A_24 = math.exp %add3A_23 : vector<64x6400xf32>
    %log1p3A = math.log1p %exp3A_24 : vector<64x6400xf32>
    %sub3A_25 = arith.constant 0.693147182 : f32
    %sub3A_26 = vector.broadcast %sub3A_25 : f32 to vector<64x6400xf32>
    %sub3A_27 = arith.subf %log1p3A, %sub3A_26 : vector<64x6400xf32>
    %get3A_28 = arith.constant 0 : index
    %get3A_29 = arith.constant 0 : index
    %get3A_30 = vector.load %arg6[%get3A_28, %get3A_29] : memref<128x64xf32, #tpu.memory_space<vmem>>, vector<128x64xf32>
    %dot_general3A_31 = arith.constant dense<0.000000e+00> : vector<6400x128xf32>
    %dot_general3A_32 = tpu.matmul %sub3A_27, %get3A_30, %dot_general3A_31 {dimension_numbers = #tpu.dot_dimension_numbers<[0], [1], [1], [0], [0, 1, 1, 0], [], []>, transpose_lhs_hint = false} : vector<64x6400xf32>, vector<128x64xf32>, vector<6400x128xf32> -> vector<6400x128xf32>
    %get3A_33 = arith.constant 0 : index
    %get3A_34 = arith.constant 0 : index
    %get3A_35 = vector.load %arg7[%get3A_33, %get3A_34] : memref<1x128xf32, #tpu.memory_space<vmem>>, vector<1x128xf32>
    %add3A_36 = vector.broadcast %get3A_35 : vector<1x128xf32> to vector<6400x128xf32>
    %add3A_37 = arith.addf %dot_general3A_32, %add3A_36 : vector<6400x128xf32>
    %exp3A_38 = math.exp %add3A_37 : vector<6400x128xf32>
    %log1p3A_39 = math.log1p %exp3A_38 : vector<6400x128xf32>
    %sub3A_40 = arith.constant 0.693147182 : f32
    %sub3A_41 = vector.broadcast %sub3A_40 : f32 to vector<6400x128xf32>
    %sub3A_42 = arith.subf %log1p3A_39, %sub3A_41 : vector<6400x128xf32>
    %swap3A = arith.constant 0 : index
    %swap3A_43 = arith.constant 0 : index
    %swap3A_44 = vector.load %arg8[%swap3A, %swap3A_43] : memref<6400x128xf32, #tpu.memory_space<vmem>>, vector<6400x128xf32>
    tpu.vector_store %arg8[%swap3A, %swap3A_43], %sub3A_42 {strides = array<i32>} : memref<6400x128xf32, #tpu.memory_space<vmem>>, vector<6400x128xf32>,
    return
  }
  func.func @transform_0(%arg0: i32) -> (i32, i32, i32) {
    %add3A = arith.constant 25 : i32
    %add3A_0 = arith.addi %arg0, %add3A : i32
    %c0_i32 = arith.constant 0 : i32
    %c0_i32_1 = arith.constant 0 : i32
    %c0_i32_2 = arith.constant 0 : i32
    return %add3A_0, %c0_i32, %c0_i32_1 : i32, i32, i32
  }
  func.func @transform_1(%arg0: i32) -> (i32, i32) {
    %c0_i32 = arith.constant 0 : i32
    %c0_i32_0 = arith.constant 0 : i32
    %c0_i32_1 = arith.constant 0 : i32
    return %c0_i32, %c0_i32_0 : i32, i32
  }
  func.func @transform_2(%arg0: i32) -> (i32, i32) {
    %c0_i32 = arith.constant 0 : i32
    %c0_i32_0 = arith.constant 0 : i32
    %c0_i32_1 = arith.constant 0 : i32
    return %c0_i32, %c0_i32_0 : i32, i32
  }
  func.func @transform_3(%arg0: i32) -> (i32, i32) {
    %c0_i32 = arith.constant 0 : i32
    %c0_i32_0 = arith.constant 0 : i32
    %c0_i32_1 = arith.constant 0 : i32
    return %c0_i32, %c0_i32_0 : i32, i32
  }
  func.func @transform_4(%arg0: i32) -> (i32, i32) {
    %c0_i32 = arith.constant 0 : i32
    %c0_i32_0 = arith.constant 0 : i32
    %c0_i32_1 = arith.constant 0 : i32
    return %c0_i32, %c0_i32_0 : i32, i32
  }
  func.func @transform_5(%arg0: i32) -> (i32, i32) {
    %c0_i32 = arith.constant 0 : i32
    %c0_i32_0 = arith.constant 0 : i32
    %c0_i32_1 = arith.constant 0 : i32
    return %c0_i32, %c0_i32_0 : i32, i32
  }
  func.func @transform_6(%arg0: i32) -> (i32, i32) {
    %c0_i32 = arith.constant 0 : i32
    %c0_i32_0 = arith.constant 0 : i32
    %c0_i32_1 = arith.constant 0 : i32
    return %c0_i32, %c0_i32_0 : i32, i32
  }
  func.func @transform_7(%arg0: i32) -> (i32, i32) {
    %c0_i32 = arith.constant 0 : i32
    %c0_i32_0 = arith.constant 0 : i32
    return %arg0, %c0_i32 : i32, i32
  }
}

module attributes {stable_mosaic.version = 14 : i64} {
  func.func @_mlp_body(%arg0: i32, %arg1: memref<1x1x6400xf32, #tpu.memory_space<vmem>>, %arg2: memref<64x1xf32, #tpu.memory_space<vmem>>, %arg3: memref<1x1xf32, #tpu.memory_space<vmem>>, %arg4: memref<64x64xf32, #tpu.memory_space<vmem>>, %arg5: memref<64x1xf32, #tpu.memory_space<vmem>>, %arg6: memref<128x64xf32, #tpu.memory_space<vmem>>, %arg7: memref<1x128xf32, #tpu.memory_space<vmem>>, %arg8: memref<6400x128xf32, #tpu.memory_space<vmem>>) attributes {dimension_semantics = [#tpu.dimension_semantics<arbitrary>], iteration_bounds = array<i64: 25>, scalar_prefetch = 0 : i64, scratch_operands = 0 : i64, tpu.core_type = #tpu.core_type<tc>, window_params = [{transform_indices = @transform_0, window_bounds = array<i64: 1, 1, 6400>}, {pipeline_mode = #tpu.pipeline_mode<synchronous>, transform_indices = @transform_1, window_bounds = array<i64: 64, 1>}, {pipeline_mode = #tpu.pipeline_mode<synchronous>, transform_indices = @transform_2, window_bounds = array<i64: 1, 1>}, {pipeline_mode = #tpu.pipeline_mode<synchronous>, transform_indices = @transform_3, window_bounds = array<i64: 64, 64>}, {pipeline_mode = #tpu.pipeline_mode<synchronous>, transform_indices = @transform_4, window_bounds = array<i64: 64, 1>}, {pipeline_mode = #tpu.pipeline_mode<synchronous>, transform_indices = @transform_5, window_bounds = array<i64: 128, 64>}, {pipeline_mode = #tpu.pipeline_mode<synchronous>, transform_indices = @transform_6, window_bounds = array<i64: 1, 128>}, {transform_indices = @transform_7, window_bounds = array<i64: 6400, 128>}]} {
    %get3A = arith.constant 0 : index
    %get3A_0 = arith.constant 0 : index
    %get3A_1 = arith.constant 0 : index
    %get3A_2 = vector.load %arg1[%get3A, %get3A_0, %get3A_1] : memref<1x1x6400xf32, #tpu.memory_space<vmem>>, vector<1x1x6400xf32>
    %get3A_3 = vector.shape_cast %get3A_2 : vector<1x1x6400xf32> to vector<1x6400xf32>
    %sqrt3A = math.sqrt %get3A_3 : vector<1x6400xf32>
    %get3A_4 = arith.constant 0 : index
    %get3A_5 = arith.constant 0 : index
    %get3A_6 = vector.load %arg3[%get3A_4, %get3A_5] : memref<1x1xf32, #tpu.memory_space<vmem>>, vector<1x1xf32>
    %get3A_7 = vector.extract %get3A_6[0, 0] : f32 from vector<1x1xf32>
    %get3A_8 = arith.constant 0 : index
    %get3A_9 = arith.constant 0 : index
    %get3A_10 = vector.load %arg2[%get3A_8, %get3A_9] : memref<64x1xf32, #tpu.memory_space<vmem>>, vector<64x1xf32>
    %sub3A = vector.broadcast %sqrt3A : vector<1x6400xf32> to vector<64x6400xf32>
    %sub3A_11 = vector.broadcast %get3A_10 : vector<64x1xf32> to vector<64x6400xf32>
    %sub3A_12 = arith.subf %sub3A, %sub3A_11 : vector<64x6400xf32>
    %neg3A = arith.constant 0.000000e+00 : f32
    %neg3A_13 = arith.subf %neg3A, %get3A_7 : f32
    %mul3A = vector.broadcast %neg3A_13 : f32 to vector<64x6400xf32>
    %mul3A_14 = arith.mulf %mul3A, %sub3A_12 : vector<64x6400xf32>
    %mul3A_15 = arith.mulf %mul3A_14, %sub3A_12 : vector<64x6400xf32>
    %exp3A = math.exp %mul3A_15 : vector<64x6400xf32>
    %get3A_16 = arith.constant 0 : index
    %get3A_17 = arith.constant 0 : index
    %get3A_18 = vector.load %arg4[%get3A_16, %get3A_17] : memref<64x64xf32, #tpu.memory_space<vmem>>, vector<64x64xf32>
    %dot_general3A = arith.constant dense<0.000000e+00> : vector<64x6400xf32>
    %dot_general3A_19 = tpu.matmul %get3A_18, %exp3A, %dot_general3A {dimension_numbers = #tpu.dot_dimension_numbers<[1], [0], [0], [1], [0, 0, 1, 1], [], []>, transpose_lhs_hint = false} : vector<64x64xf32>, vector<64x6400xf32>, vector<64x6400xf32> -> vector<64x6400xf32>
    %get3A_20 = arith.constant 0 : index
    %get3A_21 = arith.constant 0 : index
    %get3A_22 = vector.load %arg5[%get3A_20, %get3A_21] : memref<64x1xf32, #tpu.memory_space<vmem>>, vector<64x1xf32>
    %add3A = vector.broadcast %get3A_22 : vector<64x1xf32> to vector<64x6400xf32>
    %add3A_23 = arith.addf %dot_general3A_19, %add3A : vector<64x6400xf32>
    %exp3A_24 = math.exp %add3A_23 : vector<64x6400xf32>
    %log1p3A = math.log1p %exp3A_24 : vector<64x6400xf32>
    %sub3A_25 = arith.constant 0.693147182 : f32
    %sub3A_26 = vector.broadcast %sub3A_25 : f32 to vector<64x6400xf32>
    %sub3A_27 = arith.subf %log1p3A, %sub3A_26 : vector<64x6400xf32>
    %get3A_28 = arith.constant 0 : index
    %get3A_29 = arith.constant 0 : index
    %get3A_30 = vector.load %arg6[%get3A_28, %get3A_29] : memref<128x64xf32, #tpu.memory_space<vmem>>, vector<128x64xf32>
    %dot_general3A_31 = arith.constant dense<0.000000e+00> : vector<6400x128xf32>
    %dot_general3A_32 = tpu.matmul %sub3A_27, %get3A_30, %dot_general3A_31 {dimension_numbers = #tpu.dot_dimension_numbers<[0], [1], [1], [0], [0, 1, 1, 0], [], []>, transpose_lhs_hint = false} : vector<64x6400xf32>, vector<128x64xf32>, vector<6400x128xf32> -> vector<6400x128xf32>
    %get3A_33 = arith.constant 0 : index
    %get3A_34 = arith.constant 0 : index
    %get3A_35 = vector.load %arg7[%get3A_33, %get3A_34] : memref<1x128xf32, #tpu.memory_space<vmem>>, vector<1x128xf32>
    %add3A_36 = vector.broadcast %get3A_35 : vector<1x128xf32> to vector<6400x128xf32>
    %add3A_37 = arith.addf %dot_general3A_32, %add3A_36 : vector<6400x128xf32>
    %exp3A_38 = math.exp %add3A_37 : vector<6400x128xf32>
    %log1p3A_39 = math.log1p %exp3A_38 : vector<6400x128xf32>
    %sub3A_40 = arith.constant 0.693147182 : f32
    %sub3A_41 = vector.broadcast %sub3A_40 : f32 to vector<6400x128xf32>
    %sub3A_42 = arith.subf %log1p3A_39, %sub3A_41 : vector<6400x128xf32>
    %swap3A = arith.constant 0 : index
    %swap3A_43 = arith.constant 0 : index
    %swap3A_44 = vector.load %arg8[%swap3A, %swap3A_43] : memref<6400x128xf32, #tpu.memory_space<vmem>>, vector<6400x128xf32>
    tpu.vector_store %arg8[%swap3A, %swap3A_43], %sub3A_42 {strides = array<i32>} : memref<6400x128xf32, #tpu.memory_space<vmem>>, vector<6400x128xf32>,
    return
  }
  func.func @transform_0(%arg0: i32) -> (i32, i32, i32) {
    %add3A = arith.constant 0 : i32
    %add3A_0 = arith.addi %arg0, %add3A : i32
    %c0_i32 = arith.constant 0 : i32
    %c0_i32_1 = arith.constant 0 : i32
    %c0_i32_2 = arith.constant 0 : i32
    return %add3A_0, %c0_i32, %c0_i32_1 : i32, i32, i32
  }
  func.func @transform_1(%arg0: i32) -> (i32, i32) {
    %c0_i32 = arith.constant 0 : i32
    %c0_i32_0 = arith.constant 0 : i32
    %c0_i32_1 = arith.constant 0 : i32
    return %c0_i32, %c0_i32_0 : i32, i32
  }
  func.func @transform_2(%arg0: i32) -> (i32, i32) {
    %c0_i32 = arith.constant 0 : i32
    %c0_i32_0 = arith.constant 0 : i32
    %c0_i32_1 = arith.constant 0 : i32
    return %c0_i32, %c0_i32_0 : i32, i32
  }
  func.func @transform_3(%arg0: i32) -> (i32, i32) {
    %c0_i32 = arith.constant 0 : i32
    %c0_i32_0 = arith.constant 0 : i32
    %c0_i32_1 = arith.constant 0 : i32
    return %c0_i32, %c0_i32_0 : i32, i32
  }
  func.func @transform_4(%arg0: i32) -> (i32, i32) {
    %c0_i32 = arith.constant 0 : i32
    %c0_i32_0 = arith.constant 0 : i32
    %c0_i32_1 = arith.constant 0 : i32
    return %c0_i32, %c0_i32_0 : i32, i32
  }
  func.func @transform_5(%arg0: i32) -> (i32, i32) {
    %c0_i32 = arith.constant 0 : i32
    %c0_i32_0 = arith.constant 0 : i32
    %c0_i32_1 = arith.constant 0 : i32
    return %c0_i32, %c0_i32_0 : i32, i32
  }
  func.func @transform_6(%arg0: i32) -> (i32, i32) {
    %c0_i32 = arith.constant 0 : i32
    %c0_i32_0 = arith.constant 0 : i32
    %c0_i32_1 = arith.constant 0 : i32
    return %c0_i32, %c0_i32_0 : i32, i32
  }
  func.func @transform_7(%arg0: i32) -> (i32, i32) {
    %c0_i32 = arith.constant 0 : i32
    %c0_i32_0 = arith.constant 0 : i32
    return %arg0, %c0_i32 : i32, i32
  }
}

module attributes {stable_mosaic.version = 14 : i64} {
  func.func @_combine_body(%arg0: i32, %arg1: memref<400x128xf32, #tpu.memory_space<vmem>>, %arg2: memref<400x128xf32, #tpu.memory_space<vmem>>, %arg3: memref<400x128xf32, #tpu.memory_space<vmem>>, %arg4: memref<400x128xf32, #tpu.memory_space<vmem>>, %arg5: memref<400x128xf32, #tpu.memory_space<vmem>>, %arg6: memref<400x128xf32, #tpu.memory_space<vmem>>) attributes {dimension_semantics = [#tpu.dimension_semantics<arbitrary>], iteration_bounds = array<i64: 25>, scalar_prefetch = 0 : i64, scratch_operands = 0 : i64, tpu.core_type = #tpu.core_type<tc>, window_params = [{transform_indices = @transform_0, window_bounds = array<i64: 400, 128>}, {transform_indices = @transform_1, window_bounds = array<i64: 400, 128>}, {transform_indices = @transform_2, window_bounds = array<i64: 400, 128>}, {transform_indices = @transform_3, window_bounds = array<i64: 400, 128>}, {transform_indices = @transform_4, window_bounds = array<i64: 400, 128>}, {transform_indices = @transform_5, window_bounds = array<i64: 400, 128>}]} {
    %get3A = arith.constant 0 : index
    %get3A_0 = arith.constant 0 : index
    %get3A_1 = vector.load %arg1[%get3A, %get3A_0] : memref<400x128xf32, #tpu.memory_space<vmem>>, vector<400x128xf32>
    %get3A_2 = arith.constant 0 : index
    %get3A_3 = arith.constant 0 : index
    %get3A_4 = vector.load %arg2[%get3A_2, %get3A_3] : memref<400x128xf32, #tpu.memory_space<vmem>>, vector<400x128xf32>
    %get3A_5 = arith.constant 0 : index
    %get3A_6 = arith.constant 0 : index
    %get3A_7 = vector.load %arg3[%get3A_5, %get3A_6] : memref<400x128xf32, #tpu.memory_space<vmem>>, vector<400x128xf32>
    %add3A = arith.addf %get3A_4, %get3A_7 : vector<400x128xf32>
    %get3A_8 = arith.constant 0 : index
    %get3A_9 = arith.constant 0 : index
    %get3A_10 = vector.load %arg4[%get3A_8, %get3A_9] : memref<400x128xf32, #tpu.memory_space<vmem>>, vector<400x128xf32>
    %get3A_11 = arith.constant 0 : index
    %get3A_12 = arith.constant 0 : index
    %get3A_13 = vector.load %arg5[%get3A_11, %get3A_12] : memref<400x128xf32, #tpu.memory_space<vmem>>, vector<400x128xf32>
    %add3A_14 = arith.addf %get3A_10, %get3A_13 : vector<400x128xf32>
    %add3A_15 = arith.addf %add3A, %add3A_14 : vector<400x128xf32>
    %mul3A = arith.mulf %get3A_1, %add3A_15 : vector<400x128xf32>
    %swap3A = arith.constant 0 : index
    %swap3A_16 = arith.constant 0 : index
    %swap3A_17 = vector.load %arg6[%swap3A, %swap3A_16] : memref<400x128xf32, #tpu.memory_space<vmem>>, vector<400x128xf32>
    tpu.vector_store %arg6[%swap3A, %swap3A_16], %mul3A {strides = array<i32>} : memref<400x128xf32, #tpu.memory_space<vmem>>, vector<400x128xf32>,
    return
  }
  func.func @transform_0(%arg0: i32) -> (i32, i32) {
    %c0_i32 = arith.constant 0 : i32
    %c0_i32_0 = arith.constant 0 : i32
    return %arg0, %c0_i32 : i32, i32
  }
  func.func @transform_1(%arg0: i32) -> (i32, i32) {
    %c0_i32 = arith.constant 0 : i32
    %c0_i32_0 = arith.constant 0 : i32
    return %arg0, %c0_i32 : i32, i32
  }
  func.func @transform_2(%arg0: i32) -> (i32, i32) {
    %add3A = arith.constant 25 : i32
    %add3A_0 = arith.addi %arg0, %add3A : i32
    %c0_i32 = arith.constant 0 : i32
    %c0_i32_1 = arith.constant 0 : i32
    return %add3A_0, %c0_i32 : i32, i32
  }
  func.func @transform_3(%arg0: i32) -> (i32, i32) {
    %c0_i32 = arith.constant 0 : i32
    %c0_i32_0 = arith.constant 0 : i32
    return %arg0, %c0_i32 : i32, i32
  }
  func.func @transform_4(%arg0: i32) -> (i32, i32) {
    %add3A = arith.constant 25 : i32
    %add3A_0 = arith.addi %arg0, %add3A : i32
    %c0_i32 = arith.constant 0 : i32
    %c0_i32_1 = arith.constant 0 : i32
    return %add3A_0, %c0_i32 : i32, i32
  }
  func.func @transform_5(%arg0: i32) -> (i32, i32) {
    %c0_i32 = arith.constant 0 : i32
    %c0_i32_0 = arith.constant 0 : i32
    return %arg0, %c0_i32 : i32, i32
  }
}

</mosaic_0001>

<sc_bundles>
// kernel: kernel.11.cloned.1.call-start
scs
__scs_entry_jumppad:
0x0: {  	(pc) =	sbr.rel $0x88, $3  }
0x1: {  	(tag) =	ssettag $0x0;
	lr =	simm.s32 $0x1  }
0x2: {  	[smem:$0x3F97] =	sst lr;
	_ =	strace $0xD0000000  }
0x3: {  	_ = 	snop  }
0x4: {  	_ = 	snop  }
0x5: {  	_ = 	snop  }
0x6: {  	_ = 	snop  }
0x7: {  	_ = 	snop  }
__scs_overlays_trampoline_lowered:
0x8: {  	[smem:$0x3FA6] =	sst s0  }
0x9: {  	[smem:$0x3FA7] =	sst s1  }
0xa: {  	[smem:$0x3FA8] =	sst s2  }
0xb: {  	[smem:$0x3FA9] =	sst s3  }
0xc: {  	[smem:$0x3FAA] =	sst s4  }
0xd: {  	[smem:$0x3FAB] =	sst s5  }
0xe: {  	[smem:$0x3FAC] =	sst s6  }
0xf: {  	[smem:$0x3FAD] =	sst s7  }
0x10: {  	[smem:$0x3FAE] =	sst s8  }
0x11: {  	[smem:$0x3FAF] =	sst s9;
	s0 =	simm.s32 @!p0 $0x0  }
0x12: {  	s1 =	sld [smem:$0x3F95];
	s0 =	simm.s32 @p0 $0x1  }
0x13: {  	[smem:$0x3FB0] =	sst s0;
	s0 =	simm.s32 @!p1 $0x0  }
0x14: {  	s2 =	sld [smem:$0x3F94];
	s0 =	simm.s32 @p1 $0x1  }
0x15: {  	[smem:$0x3FB1] =	sst s0;
	s0 =	simm.s32 @!p2 $0x0  }
0x16: {  	s3 =	sld [smem:$0x3FDB];
	s0 =	simm.s32 @p2 $0x1  }
0x17: {  	s4 =	simm.s32 $0x1BF5;
	[smem:$0x3FB3] =	sst s0  }
0x18: {  	s0 =	sld [smem:$0x3F96];
	_ =	swait.ge [sflag:s4], $0x0  }
0x19: {  	s7 =	sld [smem:$0x3F97]  }
0x1a: {  	s8 =	sadd.s32 $0xFFFFE003, lr  }
0x1b: {  	s9 =	sadd.s32 $0xFFFFFEF7, lr;
	s5 =	simm.s32 $0xFFFFFFFF;
	p2 =	slt.u32 s8, $0xFFFFF086  }
0x1c: {  	p1 =	slt.u32 s9, $0xF7A;
	s5 =	simm.s32 @!p2 $0x0  }
0x1d: {  	s5 =	simm.s32 @p1 $0x1;
	p0 =	seq.s32 s7, s2  }
0x1e: {  	s7 =	smul.u32 @!p0 $0xF7A, s2;
	p2 =	seq.s32 @!p0 s5, $0x0  }
0x1f: {  	s9 =	smul.u32 $0xF7A, s1;
	s8 =	simm.s32 @!p0 $0x1BF5;
	p2 =	por !p2, p0  }
0x20: {  	[sflag:s8] =	ssyncset.s32 @!p0 $0xFFFFF086;
	s6 =	sadd.s32 @!p0 s3, s7;
	s7 =	simm.s32 @!p0 $0x108  }
0x21: {  	s3 =	sadd.s32 s3, s9;
	s6 =	sadd.s32 @!p0 $0x88, s6;
	s7 =	simm.s32 @p2 $0x1082  }
0x22: {  	[simem:s7], [sflag:s8] =	dma.local @!p0 [hbm:s6], $0xF7A  }
0x23: {  	s9 =	sor.u32 $0xD0000000, s2;
	s6 =	simm.s32 $0x108;
	_ =	swait.ge @!p0 [sflag:s8], $0x0  }
0x24: {  	s3 =	sadd.s32 $0x88, s3;
	s6 =	simm.s32 @!p1 $0x1082;
	[sflag:s4] =	ssyncset.s32 $0xFFFFF086  }
0x25: {  	[simem:s6], [sflag:s4] =	dma.local [hbm:s3], $0xF7A  }
0x26: {  	[smem:$0x3F97] =	sst s1;
	(tag) =	ssettag s2;
	_ =	strace s9  }
0x27: {  	s1 =	sld [smem:$0x3FA7]  }
0x28: {  	s2 =	sld [smem:$0x3FA8]  }
0x29: {  	s4 =	sld [smem:$0x3FAA]  }
0x2a: {  	p0 =	seq.s32 s5, $0x0;
	s5 =	sld [smem:$0x3FAB]  }
0x2b: {  	s6 =	sld [smem:$0x3FAC]  }
0x2c: {  	s7 =	sld [smem:$0x3FAD]  }
0x2d: {  	s3 =	simm.s32 $0x108;
	s8 =	sld [smem:$0x3FAE]  }
0x2e: {  	s3 =	simm.s32 @!p0 $0x1082;
	s9 =	sld [smem:$0x3FAF]  }
0x2f: {  	lr =	sadd.s32 s0, s3;
	s0 =	sld [smem:$0x3FA6]  }
0x30: {  	s3 =	sld [smem:$0x3FA9]  }
0x31: {  	[smem:$0x3FB2] =	sst s10  }
0x32: {  	s10 =	sld [smem:$0x3FB0];
	_ =	sdelay $0x3  }
0x33: {  	p0 =	seq.s32 s10, $0x1;
	s10 =	sld [smem:$0x3FB2];
	_ =	sdelay $0x3  }
0x34: {  	[smem:$0x3FB2] =	sst s10  }
0x35: {  	s10 =	sld [smem:$0x3FB1];
	_ =	sdelay $0x3  }
0x36: {  	p1 =	seq.s32 s10, $0x1;
	s10 =	sld [smem:$0x3FB2];
	_ =	sdelay $0x3  }
0x37: {  	[smem:$0x3FB2] =	sst s10  }
0x38: {  	s10 =	sld [smem:$0x3FB3]  }
0x39: {  	_ = 	snop;
	(pc) =	sbr.ind lr, $3  }
0x3a: {  	_ = 	snop  }
0x3b: {  	_ = 	snop  }
0x3c: {  	p2 =	seq.s32 s10, $0x1;
	s10 =	sld [smem:$0x3FB2]  }
0x3d: {  	_ =	shalt  }
0x3e: {  	_ =	shalt  }
0x3f: {  	_ =	shalt  }
0x40: {  	_ =	shalt  }
0x41: {  	_ =	shalt  }
0x42: {  	_ =	shalt  }
0x43: {  	_ =	shalt  }
0x44: {  	_ =	shalt  }
0x45: {  	_ =	shalt  }
0x46: {  	_ =	shalt  }
0x47: {  	_ =	shalt  }
0x48: {  	_ =	shalt  }
0x49: {  	_ =	shalt  }
0x4a: {  	_ =	shalt  }
0x4b: {  	_ =	shalt  }
0x4c: {  	_ =	shalt  }
0x4d: {  	_ =	shalt  }
0x4e: {  	_ =	shalt  }
0x4f: {  	_ =	shalt  }
0x50: {  	_ =	shalt  }
0x51: {  	_ =	shalt  }
0x52: {  	_ =	shalt  }
0x53: {  	_ =	shalt  }
0x54: {  	_ =	shalt  }
0x55: {  	_ =	shalt  }
0x56: {  	_ =	shalt  }
0x57: {  	_ =	shalt  }
0x58: {  	_ =	shalt  }
0x59: {  	_ =	shalt  }
0x5a: {  	_ =	shalt  }
0x5b: {  	_ =	shalt  }
0x5c: {  	_ =	shalt  }
0x5d: {  	_ =	shalt  }
0x5e: {  	_ =	shalt  }
0x5f: {  	_ =	shalt  }
0x60: {  	_ =	shalt  }
0x61: {  	_ =	shalt  }
0x62: {  	_ =	shalt  }
0x63: {  	_ =	shalt  }
0x64: {  	_ =	shalt  }
0x65: {  	_ =	shalt  }
0x66: {  	_ =	shalt  }
0x67: {  	_ =	shalt  }
0x68: {  	_ =	shalt  }
0x69: {  	_ =	shalt  }
0x6a: {  	_ =	shalt  }
0x6b: {  	_ =	shalt  }
0x6c: {  	_ =	shalt  }
0x6d: {  	_ =	shalt  }
0x6e: {  	_ =	shalt  }
0x6f: {  	_ =	shalt  }
0x70: {  	_ =	shalt  }
0x71: {  	_ =	shalt  }
0x72: {  	_ =	shalt  }
0x73: {  	_ =	shalt  }
0x74: {  	_ =	shalt  }
0x75: {  	_ =	shalt  }
0x76: {  	_ =	shalt  }
0x77: {  	_ =	shalt  }
0x78: {  	_ =	shalt  }
0x79: {  	_ =	shalt  }
0x7a: {  	_ =	shalt  }
0x7b: {  	_ =	shalt  }
0x7c: {  	_ =	shalt  }
0x7d: {  	_ =	shalt  }
0x7e: {  	_ =	shalt  }
0x7f: {  	_ =	shalt  }
0x80: {  	_ =	shalt  }
0x81: {  	_ =	shalt  }
0x82: {  	_ =	shalt  }
0x83: {  	_ =	shalt  }
0x84: {  	_ =	shalt  }
0x85: {  	_ =	shalt  }
0x86: {  	_ =	shalt  }
0x87: {  	_ =	shalt  }
.Lfunc_end0:
.L_simem_size_0:
called_computation.1_lowered:
.L_overlay_start_0:
0x88: {  	s2 =	sld [smem:$0x3FD9]  }
0x89: {  	s3 =	sld [smem:$0x3FFE];
	_ =	sdelay $0x1  }
0x8a: {  	s1 =	srdreg.scid  }
0x8b: {  	s0 =	sand.u32 $0x1, s1  }
0x8c: {  	s17 =	sshll.u32 s0, $0xA;
	s2 =	sadd.s32 s3, s2  }
0x8d: {  	s2 =	sadd.s32 s2, s17  }
0x8e: {  	[smem:$0x3FBE] =	sst s2  }
0x8f: {  	_ = 	snop  }
0x90: {  	s18 =	sld [smem:$0x3FD0];
	(tm) =	ssettm $0x1  }
0x91: {  	s19 =	sld [smem:$0x3FFB];
	_ =	sdelay $0x3  }
0x92: {  	_ =	strace s19  }
0x93: {  	s2 =	sld [smem:$0x3FFC];
	_ =	sdelay $0x3  }
0x94: {  	_ =	strace s2  }
0x95: {  	s2 =	sld [smem:$0x3FFD];
	_ =	sdelay $0x3  }
0x96: {  	_ =	strace s2  }
0x97: {  	_ =	strace $0x8FFFFFFF  }
0x98: {  	s20 =	sld [smem:$0x3FDB];
	_ =	sdelay $0x1  }
0x99: {  	s4 =	simm.s32 $_scs_section_size  }
0x9a: {  	s5 =	simm.s32 $_size__tile_overlayer_lowered;
	s6 =	simm.s32 $_tile_overlayer_lowered  }
0x9b: {  	s7 =	simm.s32 $0x1BFF;
	s21 =	sshll.u32 s6, $0x1;
	s4 =	sadd.s32 s4, s20  }
0x9c: {  	s22 =	simm.s32 $0x0;
	s5 =	sshll.u32 s5, $0x1;
	s6 =	sadd.s32 s21, s4  }
0x9d: {  	[timem:s22], [sflag:s7] =	dma.local [hbm:s6], s5  }
0x9e: {  	_ =	swait.ge [sflag:s7], s5  }
0x9f: {  	s5 =	ssub.s32 $0x0, s5;
	[sflag:s7] =	ssyncset.done $0x0  }
0xa0: {  	[sflag:s7] =	ssyncadd.s32 s5;
	_ =	sdelay $0x1  }
0xa1: {  	s23 =	simm.s32 $0x1B8B  }
0xa2: {  	_ =	swait.ge [sflag:s23], $0x1  }
0xa3: {  	[sflag:s23] =	ssyncset.done $0x0  }
0xa4: {  	[sflag:s23] =	ssyncadd.s32 $0xFFFFFFFF  }
0xa5: {  	s5 =	sld [smem:$0x0]  }
0xa6: {  	s6 =	sand.u32 $0xFFFFFFFE, s1  }
0xa7: {  	p0 =	sne.s32 s1, s6  }
0xa8: {  	s6 =	sshll.u32 @p0 s6, $0xE  }
0xa9: {  	s6 =	sadd.s32 @p0 $0x11B8D, s6;
	s7 =	sshll.u32 @p0 s5, $0x11  }
0xaa: {  	s6 =	sor.u32 @p0 s7, s6  }
0xab: {  	[sflag:s6] =	ssyncadd.remote.s32 @p0 $0x1;
	_ =	sdelay $0x1  }
0xac: {  	s6 =	simm.s32 @p0 $0x1B8D  }
0xad: {  	_ =	swait.eq @p0 [sflag:s6], $0x1  }
0xae: {  	[sflag:s6] =	ssyncadd.s32 @p0 $0xFFFFFFFF  }
0xaf: {  	s7 =	sshll.u32 @!p0 s1, $0xE  }
0xb0: {  	s7 =	sor.u32 @!p0 $0x4000, s7;
	s6 =	simm.s32 @!p0 $0x1B8D  }
0xb1: {  	s5 =	sshll.u32 @!p0 s5, $0x11;
	s7 =	sadd.s32 @!p0 $0x11B8D, s7;
	_ =	swait.eq @!p0 [sflag:s6], $0x1  }
0xb2: {  	s5 =	sor.u32 @!p0 s5, s7;
	[sflag:s6] =	ssyncadd.s32 @!p0 $0xFFFFFFFF  }
0xb3: {  	s25 =	simm.s32 $0x1B8E;
	s24 =	sld [smem:$0x3FFE];
	[sflag:s5] =	ssyncadd.remote.s32 @!p0 $0x1  }
0xb4: {  	s26 =	simm.s32 $execute0_lowered;
	[smem:$0x3FD2] =	sst s25  }
0xb5: {  	s6 =	sshll.u32 s26, $0x1;
	_ =	strace $0x8000004C;
	[dreg:$0x1] =	wrdreg $0xFFFFFFFF  }
0xb6: {  	s28 =	simm.s32 $_size_execute0_lowered;
	s4 =	sadd.s32 s4, s6;
	[dreg:$0x0] =	wrdreg $0x0  }
0xb7: {  	s6 =	sshll.u32 s28, $0x1;
	[dreg:$0x2] =	wrdreg s4  }
0xb8: {  	[dreg:$0x3] =	wrdreg s6  }
0xb9: {  	[dreg:$0x4] =	wrdreg $0xC0  }
0xba: {  	_ =	task [dreg:s22], $0x5FFFF  }
0xbb: {  	[dreg:$0x1] =	wrdreg $0xFFFFFFFF  }
0xbc: {  	[dreg:$0x0] =	wrdreg $0x60  }
0xbd: {  	[dreg:$0x2] =	wrdreg s24  }
0xbe: {  	[dreg:$0x3] =	wrdreg s18  }
0xbf: {  	[dreg:$0x4] =	wrdreg $0x0  }
0xc0: {  	[dreg:$0x5] =	wrdreg $0x9  }
0xc1: {  	_ =	task.clear_ibuf [dreg:s22], $0x6FFFF;
	_ =	strace $0x9000004C  }
0xc2: {  	s29 =	simm.s32 $0x9;
	_ =	strace $0x8000004E  }
0xc3: {  	_ =	swait.ge [sflag:s29], $0x1  }
0xc4: {  	[sflag:s29] =	ssyncadd.s32 $0xFFFFFFFF  }
0xc5: {  	_ =	strace $0x9000004E  }
0xc6: {  	_ =	sfence  }
0xc7: {  	s30 =	sld [smem:$0x0];
	_ =	sdelay $0x2  }
0xc8: {  	s31 =	sshll.u32 s1, $0xD;
	s1 =	sshrl.u32 s1, $0x2  }
0xc9: {  	s4 =	sand.u32 $0x4000, s31;
	s1 =	sadd.s32 s1, s30  }
0xca: {  	s0 =	sor.u32 s4, s0;
	s1 =	sshll.u32 s1, $0x11  }
0xcb: {  	s0 =	sor.u32 s1, s0  }
0xcc: {  	s0 =	sadd.s32 $0x8F2B, s0  }
0xcd: {  	[sflag:s0] =	ssyncadd.remote.s32 $0x1  }
0xce: {  	_ =	sfence.sel $0xFFFF  }
0xcf: {  	[dreg:$0x0] =	wrdreg $0xFFFFFFFF;
	(pc) =	sbr.abs _section_cstart, $3  }
0xd0: {  	[dreg:$0x1] =	wrdreg $0xFFFFFFFF  }
0xd1: {  	_ =	task.clear_ibuf [dreg:s22], $0x2FFFF;
	_ =	strace $0x9FFFFFFF  }
0xd2: {  	(tm) =	ssettm $0x7FFFFFFF  }
0xd3: {  	_ =	shalt  }
tec
execute0_lowered:
.L_overlay_start_1:
0x0: {  	(tag) =	ssettag $0x1  }
0x1: {  	s0 =	rddreg [dreg:$0x0]  }
0x2: {  	s1 =	rddreg [dreg:$0x1]  }
0x3: {  	s3 =	rddreg [dreg:$0x2];
	s4 =	simm.s32 $0x0  }
0x4: {  	s2 =	srdreg.scid;
	s11 =	stileid.u32;
	s28 =	simm.s32 $0x2  }
0x5: {  	s29 =	simm.s32 $0x1FE00;
	s30 =	simm.s32 $0x1FA00;
	[smem:$0x7FF] =	sst s4  }
0x6: {  	s2 =	sand.u32 $0x1, s2;
	s5 =	smul.u32 $0x2710, s11;
	s15 =	sadd.s32 $0x2D4800, s0  }
0x7: {  	s7 =	sadd.s32 $0x600, s0;
	s8 =	sshll.u32 s11, $0x1;
	s10 =	smul.u32 $0x4E200, s11  }
0x8: {  	s18 =	sshll.u32 s11, $0x6;
	_ =	strace $0x8000004D;
	s6 =	smul.u32 $0x27100, s2  }
0x9: {  	s13 =	ssub.s32 $0x2, s2;
	s8 =	sor.u32 s2, s8;
	s2 =	smul.u32 $0x1388, s2  }
0xa: {  	[dreg:$0x4] =	wrdreg s7;
	s9 =	sshrl.u32 s13, $0x1;
	s12 =	smul.u32 $0x1388, s8  }
0xb: {  	s17 =	sshrl.u32 s10, $0x2;
	s19 =	smul.u32 $0x13880, s8;
	s6 =	sadd.s32 s5, s6  }
0xc: {  	s14 =	ssub.s32 s13, s9;
	s7 =	sadd.s32 s17, s3;
	s2 =	sadd.s32 s2, s5  }
0xd: {  	s0 =	sadd.s32 s6, s0;
	[dreg:$0x5] =	wrdreg s7;
	s7 =	sor.u32 $0x1C03, s18  }
0xe: {  	s20 =	sshrl.u32 s12, $0x3;
	s21 =	sadd.s32 s15, s19;
	s22 =	sadd.s32 $0x1380, s12  }
0xf: {  	s16 =	sadd.s32 $0x12C0, s12;
	s25 =	sadd.s32 $0xC0, s2;
	s5 =	sadd.s32 $0x180, s2  }
0x10: {  	s8 =	sadd.s32 s1, s20;
	[dreg:$0x7] =	wrdreg s21;
	s23 =	sshrl.u32 s22, $0x3  }
0x11: {  	s13 =	sshll.u32 s22, $0x4;
	s12 =	sadd.s32 $0x545800, s0;
	s24 =	sshrl.u32 s16, $0x3  }
0x12: {  	s26 =	sshll.u32 s16, $0x4;
	s0 =	sshrl.u32 s25, $0x3;
	s2 =	sshll.u32 s5, $0x4  }
0x13: {  	s20 =	simm.s32 $0x3;
	s21 =	simm.s32 $0x1F880;
	s22 =	simm.s32 $0x13880  }
0x14: {  	s25 =	simm.s32 $0x19880;
	[dreg:$0x6] =	wrdreg s8;
	s10 =	sadd.s32 s1, s23  }
0x15: {  	s11 =	sadd.s32 s15, s13;
	s13 =	smax.u32 s14, $0x1;
	s14 =	sadd.s32 s1, s24  }
0x16: {  	s16 =	sadd.s32 s15, s26;
	s31 =	sshll.u32 s0, $0x7;
	s17 =	sadd.s32 s2, s15  }
0x17: {  	s6 =	sadd.s32 s0, s1;
	s23 =	simm.s32 $0xC0;
	s24 =	simm.s32 $0x1F940  }
0x18: {  	s26 =	simm.s32 $0x1;
	s0 =	simm.s32 $0x0;
	s18 =	sadd.s32 s31, s15  }
.LBB2_1:
0x19: {  	s2 =	rddreg [dreg:$0x5]  }
0x1a: {  	s8 =	rddreg [dreg:$0x4];
	s2 =	sshrl.u32 s2, $0x3  }
0x1b: {  	[spmem:s2], [sflag:s7] =	dma.local [hbm:s8], $0x2710  }
0x1c: {  	_ =	swait.ge [sflag:s20], $0x2710  }
0x1d: {  	[sflag:s20] =	ssyncset.done $0x0  }
0x1e: {  	[sflag:s20] =	ssyncadd.s32 $0xFFFFD8F0  }
0x1f: {  	[bflag:$0x0] =	sbarrier.arrive $0xFFFF  }
0x20: {  	s15 =	rddreg [dreg:$0x6]  }
0x21: {  	[tilespmem:s21], [sflag:$0x3] =	stream.linear.gather [hbm4b:s15+s4], $0xC0, $0x38;
	[tilespmem:$0x1FE08] =	vst v63  }
0x22: {  	_ =	swait.ge [sflag:s20], $0xC0  }
0x23: {  	[sflag:s20] =	ssyncset.done $0x0  }
0x24: {  	s19 =	rddreg [dreg:$0x7];
	[sflag:s20] =	ssyncadd.s32 $0xFFFFFF40  }
0x25: {  	[tilespmem:s22], [sflag:$0x3] =	stream.linear.gather [hbm4b:s19+s4], $0x6000, $0x38;
	[tilespmem:$0x1FE08] =	vst v63  }
0x26: {  	_ =	swait.ge [sflag:s20], $0x6000  }
0x27: {  	[sflag:s20] =	ssyncset.done $0x0  }
0x28: {  	[sflag:s20] =	ssyncadd.s32 $0xFFFFA000  }
0x29: {  	[spmem:s3] =	stream.indirect.scatter.add.f32 [tilespmem:s22], [sflag:$0x1], $0x80, s21, s23, $0xb8;
	[tilespmem:$0x1FE08] =	vst v63  }
0x2a: {  	_ = 	snop  }
0x2b: {  	[tilespmem:s24], [sflag:$0x3] =	stream.linear.gather [hbm4b:s6+s4], $0xC0, $0x38;
	[tilespmem:$0x1FE08] =	vst v63  }
0x2c: {  	_ =	swait.ge [sflag:s20], $0xC0  }
0x2d: {  	[sflag:s20] =	ssyncset.done $0x0  }
0x2e: {  	s15 =	sadd.s32 $0x0, s18;
	[sflag:s20] =	ssyncadd.s32 $0xFFFFFF40  }
0x2f: {  	[tilespmem:s25], [sflag:$0x3] =	stream.linear.gather [hbm4b:s15+s4], $0x6000, $0x38;
	[tilespmem:$0x1FE08] =	vst v63  }
0x30: {  	_ =	swait.ge [sflag:s20], $0x6000  }
0x31: {  	[sflag:s20] =	ssyncset.done $0x0  }
0x32: {  	[sflag:s20] =	ssyncadd.s32 $0xFFFFA000  }
0x33: {  	_ =	swait.ge [sflag:s26], $0x6000  }
0x34: {  	[sflag:s26] =	ssyncset.done $0x0  }
0x35: {  	s9 =	sshrl.u32 s5, $0x3;
	[sflag:s26] =	ssyncadd.s32 $0xFFFFA000  }
0x36: {  	[spmem:s3] =	stream.indirect.scatter.add.f32 [tilespmem:s25], [sflag:$0x2], $0x80, s24, s23, $0xb8;
	[tilespmem:$0x1FE08] =	vst v63  }
0x37: {  	s15 =	sadd.s32 s1, s9  }
0x38: {  	[tilespmem:s21], [sflag:$0x3] =	stream.linear.gather [hbm4b:s15+s4], $0xC0, $0x38;
	[tilespmem:$0x1FE08] =	vst v63  }
0x39: {  	_ =	swait.ge [sflag:s20], $0xC0  }
0x3a: {  	[sflag:s20] =	ssyncset.done $0x0  }
0x3b: {  	s19 =	sadd.s32 $0x0, s17;
	[sflag:s20] =	ssyncadd.s32 $0xFFFFFF40  }
0x3c: {  	[tilespmem:s22], [sflag:$0x3] =	stream.linear.gather [hbm4b:s19+s4], $0x6000, $0x38;
	[tilespmem:$0x1FE08] =	vst v63  }
0x3d: {  	_ =	swait.ge [sflag:s20], $0x6000  }
0x3e: {  	[sflag:s20] =	ssyncset.done $0x0  }
0x3f: {  	[sflag:s20] =	ssyncadd.s32 $0xFFFFA000  }
0x40: {  	s31 =	simm.s32 $0x1800;
	_ =	swait.ge [sflag:s28], $0x6000  }
0x41: {  	s15 =	smov.u32 s5;
	s19 =	smov.u32 s6;
	[sflag:s28] =	ssyncset.done $0x0  }
.LBB2_2:
0x42: {  	[sflag:s28] =	ssyncadd.s32 $0xFFFFA000;
	s15 =	sadd.s32 $0x180, s15;
	s19 =	sadd.s32 $0x30, s19  }
0x43: {  	[spmem:s3] =	stream.indirect.scatter.add.f32 [tilespmem:s22], [sflag:$0x1], $0x80, s21, s23, $0xb8;
	[tilespmem:$0x1FE08] =	vst v63  }
0x44: {  	p0 =	sne.s32 s31, $0x10800;
	s8 =	smov.u32 s31;
	s31 =	sadd.s32 $0x1800, s31  }
0x45: {  	[tilespmem:s24], [sflag:$0x3] =	stream.linear.gather [hbm4b:s19+s4], $0xC0, $0x38;
	[tilespmem:$0x1FE08] =	vst v63  }
0x46: {  	_ =	swait.ge [sflag:s20], $0xC0  }
0x47: {  	[sflag:s20] =	ssyncset.done $0x0  }
0x48: {  	s9 =	sadd.s32 s8, s18;
	[sflag:s20] =	ssyncadd.s32 $0xFFFFFF40  }
0x49: {  	[tilespmem:s25], [sflag:$0x3] =	stream.linear.gather [hbm4b:s9+s4], $0x6000, $0x38;
	[tilespmem:$0x1FE08] =	vst v63  }
0x4a: {  	_ =	swait.ge [sflag:s20], $0x6000  }
0x4b: {  	[sflag:s20] =	ssyncset.done $0x0  }
0x4c: {  	[sflag:s20] =	ssyncadd.s32 $0xFFFFA000  }
0x4d: {  	_ =	swait.ge [sflag:s26], $0x6000  }
0x4e: {  	[sflag:s26] =	ssyncset.done $0x0  }
0x4f: {  	s9 =	sshrl.u32 s15, $0x3;
	[sflag:s26] =	ssyncadd.s32 $0xFFFFA000  }
0x50: {  	[spmem:s3] =	stream.indirect.scatter.add.f32 [tilespmem:s25], [sflag:$0x2], $0x80, s24, s23, $0xb8;
	[tilespmem:$0x1FE08] =	vst v63  }
0x51: {  	s9 =	sadd.s32 s1, s9  }
0x52: {  	[tilespmem:s21], [sflag:$0x3] =	stream.linear.gather [hbm4b:s9+s4], $0xC0, $0x38;
	[tilespmem:$0x1FE08] =	vst v63  }
0x53: {  	_ =	swait.ge [sflag:s20], $0xC0  }
0x54: {  	[sflag:s20] =	ssyncset.done $0x0  }
0x55: {  	s8 =	sadd.s32 s8, s17;
	[sflag:s20] =	ssyncadd.s32 $0xFFFFFF40  }
0x56: {  	[tilespmem:s22], [sflag:$0x3] =	stream.linear.gather [hbm4b:s8+s4], $0x6000, $0x38;
	[tilespmem:$0x1FE08] =	vst v63  }
.Ltmp0:
0x57: {  	_ =	swait.ge [sflag:s20], $0x6000;
	(pc) =	sbr.rel @p0 .LBB2_2-.Ltmp0, $4  }
0x58: {  	[sflag:s20] =	ssyncset.done $0x0  }
0x59: {  	[sflag:s20] =	ssyncadd.s32 $0xFFFFA000  }
0x5a: {  	_ =	swait.ge [sflag:s28], $0x6000  }
0x5b: {  	[sflag:s28] =	ssyncset.done $0x0  }
0x5c: {  	[sflag:s28] =	ssyncadd.s32 $0xFFFFA000  }
0x5d: {  	[spmem:s3] =	stream.indirect.scatter.add.f32 [tilespmem:s22], [sflag:$0x1], $0x80, s21, s23, $0xb8;
	[tilespmem:$0x1FE08] =	vst v63  }
0x5e: {  	_ = 	snop  }
0x5f: {  	[tilespmem:s24], [sflag:$0x3] =	stream.linear.gather [hbm4b:s14+s4], $0xC0, $0x38;
	[tilespmem:$0x1FE08] =	vst v63  }
0x60: {  	_ =	swait.ge [sflag:s20], $0xC0  }
0x61: {  	[sflag:s20] =	ssyncset.done $0x0  }
0x62: {  	[sflag:s20] =	ssyncadd.s32 $0xFFFFFF40  }
0x63: {  	[tilespmem:s25], [sflag:$0x3] =	stream.linear.gather [hbm4b:s16+s4], $0x6000, $0x38;
	[tilespmem:$0x1FE08] =	vst v63  }
0x64: {  	_ =	swait.ge [sflag:s20], $0x6000  }
0x65: {  	[sflag:s20] =	ssyncset.done $0x0  }
0x66: {  	[sflag:s20] =	ssyncadd.s32 $0xFFFFA000  }
0x67: {  	_ =	swait.ge [sflag:s26], $0x6000  }
0x68: {  	[sflag:s26] =	ssyncset.done $0x0  }
0x69: {  	[sflag:s26] =	ssyncadd.s32 $0xFFFFA000  }
0x6a: {  	[spmem:s3] =	stream.indirect.scatter.add.f32 [tilespmem:s25], [sflag:$0x2], $0x80, s24, s23, $0xb8;
	[tilespmem:$0x1FE08] =	vst v63  }
0x6b: {  	_ =	swait.ge [sflag:s28], $0x6000  }
0x6c: {  	[sflag:s28] =	ssyncset.done $0x0  }
0x6d: {  	[sflag:s28] =	ssyncadd.s32 $0xFFFFA000  }
0x6e: {  	[tilespmem:s29], [sflag:$0x3] =	stream.linear.gather [hbm4b:s10+s4], $0x8, $0x38;
	[tilespmem:$0x1FE08] =	vst v63  }
0x6f: {  	_ =	swait.ge [sflag:s20], $0x8  }
0x70: {  	[sflag:s20] =	ssyncset.done $0x0  }
0x71: {  	[sflag:s20] =	ssyncadd.s32 $0xFFFFFFF8  }
0x72: {  	[tilespmem:s30], [sflag:$0x3] =	stream.linear.gather [hbm4b:s11+s4], $0x400, $0x38;
	[tilespmem:$0x1FE08] =	vst v63  }
0x73: {  	_ =	swait.ge [sflag:s20], $0x400  }
0x74: {  	[sflag:s20] =	ssyncset.done $0x0  }
0x75: {  	s8 =	simm.s32 $0x8;
	[sflag:s20] =	ssyncadd.s32 $0xFFFFFC00  }
0x76: {  	[spmem:s3] =	stream.indirect.scatter.add.f32 [tilespmem:s30], [sflag:$0x3], $0x80, s29, s8, $0xb8;
	[tilespmem:$0x1FE08] =	vst v63  }
0x77: {  	_ =	swait.ge [sflag:s20], $0x400  }
0x78: {  	s0 =	sadd.s32 $0x1, s0;
	[sflag:s20] =	ssyncset.done $0x0  }
0x79: {  	p0 =	sne.s32 s0, s13;
	[sflag:s20] =	ssyncadd.s32 $0xFFFFFC00  }
.Ltmp1:
0x7a: {  	[bflag:$0x0] =	sbarrier.arrive $0xFFFF;
	(pc) =	sbr.rel @p0 .LBB2_1-.Ltmp1, $4  }
0x7b: {  	[hbm:s12], [sflag:s7] =	dma.local [spmem:s2], $0x2710  }
0x7c: {  	_ =	swait.ge [sflag:s20], $0x2710  }
0x7d: {  	[sflag:s20] =	ssyncset.done $0x0  }
0x7e: {  	[sflag:s20] =	ssyncadd.s32 $0xFFFFD8F0  }
0x7f: {  	_ =	sfence.sel $0x180000  }
0x80: {  	[bflag:$0x0] =	sbarrier.arrive $0xFFFF  }
0x81: {  	_ =	strace $0x9000004D  }
0x82: {  	s0 =	stileid.u32;
	[bflag:$0x2] =	sbarrier.arrive $0xFFFF  }
0x83: {  	p0 =	sne.s32 s0, $0x0;
	s0 =	rddreg [dreg:$0x3]  }
0x84: {  	s0 =	sadd.s32 @!p0 $0x100000, s0  }
0x85: {  	[sflag:s0] =	ssyncadd.tile.s32 @!p0 $0x1;
	_ =	shalt  }
.Lfunc_end2:
_tile_overlayer_lowered:
.L_overlay_start_2:
0x86: {  	(tag) =	ssettag $0x2  }
0x87: {  	s0 =	rddreg [dreg:$0x0];
	s2 =	stileid.u32  }
0x88: {  	s1 =	rddreg [dreg:$0x1];
	p0 =	sne.s32 s2, $0x0  }
0x89: {  	s3 =	rddreg [dreg:$0x2];
	[bflag:$0x3] =	sbarrier.arrive $0xFFFF;
	s2 =	simm.s32 @!p0 $0x1C03  }
0x8a: {  	[timem:s3], [sflag:s2] =	dma.local @!p0 [hbm:s0], s1  }
0x8b: {  	s0 =	simm.s32 @!p0 $0x3  }
0x8c: {  	_ =	swait.ge @!p0 [sflag:s0], s1  }
0x8d: {  	s1 =	ssub.s32 @!p0 $0x0, s1;
	[sflag:s0] =	ssyncset.done @!p0 $0x0  }
0x8e: {  	[sflag:s0] =	ssyncadd.s32 @!p0 s1  }
0x8f: {  	[bflag:$0x3] =	sbarrier.arrive $0xFFFF  }
0x90: {  	_ =	shalt  }

// kernel: kernel.14.cloned.1.call-start
scs
__scs_entry_jumppad:
0x0: {  	(pc) =	sbr.rel $0x88, $3  }
0x1: {  	(tag) =	ssettag $0x0;
	lr =	simm.s32 $0x1  }
0x2: {  	[smem:$0x3F97] =	sst lr;
	_ =	strace $0xD0000000  }
0x3: {  	_ = 	snop  }
0x4: {  	_ = 	snop  }
0x5: {  	_ = 	snop  }
0x6: {  	_ = 	snop  }
0x7: {  	_ = 	snop  }
__scs_overlays_trampoline_lowered:
0x8: {  	[smem:$0x3FA6] =	sst s0  }
0x9: {  	[smem:$0x3FA7] =	sst s1  }
0xa: {  	[smem:$0x3FA8] =	sst s2  }
0xb: {  	[smem:$0x3FA9] =	sst s3  }
0xc: {  	[smem:$0x3FAA] =	sst s4  }
0xd: {  	[smem:$0x3FAB] =	sst s5  }
0xe: {  	[smem:$0x3FAC] =	sst s6  }
0xf: {  	[smem:$0x3FAD] =	sst s7  }
0x10: {  	[smem:$0x3FAE] =	sst s8  }
0x11: {  	[smem:$0x3FAF] =	sst s9;
	s0 =	simm.s32 @!p0 $0x0  }
0x12: {  	s1 =	sld [smem:$0x3F95];
	s0 =	simm.s32 @p0 $0x1  }
0x13: {  	[smem:$0x3FB0] =	sst s0;
	s0 =	simm.s32 @!p1 $0x0  }
0x14: {  	s2 =	sld [smem:$0x3F94];
	s0 =	simm.s32 @p1 $0x1  }
0x15: {  	[smem:$0x3FB1] =	sst s0;
	s0 =	simm.s32 @!p2 $0x0  }
0x16: {  	s3 =	sld [smem:$0x3FDB];
	s0 =	simm.s32 @p2 $0x1  }
0x17: {  	s4 =	simm.s32 $0x1BF5;
	[smem:$0x3FB3] =	sst s0  }
0x18: {  	s0 =	sld [smem:$0x3F96];
	_ =	swait.ge [sflag:s4], $0x0  }
0x19: {  	s7 =	sld [smem:$0x3F97]  }
0x1a: {  	s8 =	sadd.s32 $0xFFFFE003, lr  }
0x1b: {  	s9 =	sadd.s32 $0xFFFFFEF7, lr;
	s5 =	simm.s32 $0xFFFFFFFF;
	p2 =	slt.u32 s8, $0xFFFFF086  }
0x1c: {  	p1 =	slt.u32 s9, $0xF7A;
	s5 =	simm.s32 @!p2 $0x0  }
0x1d: {  	s5 =	simm.s32 @p1 $0x1;
	p0 =	seq.s32 s7, s2  }
0x1e: {  	s7 =	smul.u32 @!p0 $0xF7A, s2;
	p2 =	seq.s32 @!p0 s5, $0x0  }
0x1f: {  	s9 =	smul.u32 $0xF7A, s1;
	s8 =	simm.s32 @!p0 $0x1BF5;
	p2 =	por !p2, p0  }
0x20: {  	[sflag:s8] =	ssyncset.s32 @!p0 $0xFFFFF086;
	s6 =	sadd.s32 @!p0 s3, s7;
	s7 =	simm.s32 @!p0 $0x108  }
0x21: {  	s3 =	sadd.s32 s3, s9;
	s6 =	sadd.s32 @!p0 $0x88, s6;
	s7 =	simm.s32 @p2 $0x1082  }
0x22: {  	[simem:s7], [sflag:s8] =	dma.local @!p0 [hbm:s6], $0xF7A  }
0x23: {  	s9 =	sor.u32 $0xD0000000, s2;
	s6 =	simm.s32 $0x108;
	_ =	swait.ge @!p0 [sflag:s8], $0x0  }
0x24: {  	s3 =	sadd.s32 $0x88, s3;
	s6 =	simm.s32 @!p1 $0x1082;
	[sflag:s4] =	ssyncset.s32 $0xFFFFF086  }
0x25: {  	[simem:s6], [sflag:s4] =	dma.local [hbm:s3], $0xF7A  }
0x26: {  	[smem:$0x3F97] =	sst s1;
	(tag) =	ssettag s2;
	_ =	strace s9  }
0x27: {  	s1 =	sld [smem:$0x3FA7]  }
0x28: {  	s2 =	sld [smem:$0x3FA8]  }
0x29: {  	s4 =	sld [smem:$0x3FAA]  }
0x2a: {  	p0 =	seq.s32 s5, $0x0;
	s5 =	sld [smem:$0x3FAB]  }
0x2b: {  	s6 =	sld [smem:$0x3FAC]  }
0x2c: {  	s7 =	sld [smem:$0x3FAD]  }
0x2d: {  	s3 =	simm.s32 $0x108;
	s8 =	sld [smem:$0x3FAE]  }
0x2e: {  	s3 =	simm.s32 @!p0 $0x1082;
	s9 =	sld [smem:$0x3FAF]  }
0x2f: {  	lr =	sadd.s32 s0, s3;
	s0 =	sld [smem:$0x3FA6]  }
0x30: {  	s3 =	sld [smem:$0x3FA9]  }
0x31: {  	[smem:$0x3FB2] =	sst s10  }
0x32: {  	s10 =	sld [smem:$0x3FB0];
	_ =	sdelay $0x3  }
0x33: {  	p0 =	seq.s32 s10, $0x1;
	s10 =	sld [smem:$0x3FB2];
	_ =	sdelay $0x3  }
0x34: {  	[smem:$0x3FB2] =	sst s10  }
0x35: {  	s10 =	sld [smem:$0x3FB1];
	_ =	sdelay $0x3  }
0x36: {  	p1 =	seq.s32 s10, $0x1;
	s10 =	sld [smem:$0x3FB2];
	_ =	sdelay $0x3  }
0x37: {  	[smem:$0x3FB2] =	sst s10  }
0x38: {  	s10 =	sld [smem:$0x3FB3]  }
0x39: {  	_ = 	snop;
	(pc) =	sbr.ind lr, $3  }
0x3a: {  	_ = 	snop  }
0x3b: {  	_ = 	snop  }
0x3c: {  	p2 =	seq.s32 s10, $0x1;
	s10 =	sld [smem:$0x3FB2]  }
0x3d: {  	_ =	shalt  }
0x3e: {  	_ =	shalt  }
0x3f: {  	_ =	shalt  }
0x40: {  	_ =	shalt  }
0x41: {  	_ =	shalt  }
0x42: {  	_ =	shalt  }
0x43: {  	_ =	shalt  }
0x44: {  	_ =	shalt  }
0x45: {  	_ =	shalt  }
0x46: {  	_ =	shalt  }
0x47: {  	_ =	shalt  }
0x48: {  	_ =	shalt  }
0x49: {  	_ =	shalt  }
0x4a: {  	_ =	shalt  }
0x4b: {  	_ =	shalt  }
0x4c: {  	_ =	shalt  }
0x4d: {  	_ =	shalt  }
0x4e: {  	_ =	shalt  }
0x4f: {  	_ =	shalt  }
0x50: {  	_ =	shalt  }
0x51: {  	_ =	shalt  }
0x52: {  	_ =	shalt  }
0x53: {  	_ =	shalt  }
0x54: {  	_ =	shalt  }
0x55: {  	_ =	shalt  }
0x56: {  	_ =	shalt  }
0x57: {  	_ =	shalt  }
0x58: {  	_ =	shalt  }
0x59: {  	_ =	shalt  }
0x5a: {  	_ =	shalt  }
0x5b: {  	_ =	shalt  }
0x5c: {  	_ =	shalt  }
0x5d: {  	_ =	shalt  }
0x5e: {  	_ =	shalt  }
0x5f: {  	_ =	shalt  }
0x60: {  	_ =	shalt  }
0x61: {  	_ =	shalt  }
0x62: {  	_ =	shalt  }
0x63: {  	_ =	shalt  }
0x64: {  	_ =	shalt  }
0x65: {  	_ =	shalt  }
0x66: {  	_ =	shalt  }
0x67: {  	_ =	shalt  }
0x68: {  	_ =	shalt  }
0x69: {  	_ =	shalt  }
0x6a: {  	_ =	shalt  }
0x6b: {  	_ =	shalt  }
0x6c: {  	_ =	shalt  }
0x6d: {  	_ =	shalt  }
0x6e: {  	_ =	shalt  }
0x6f: {  	_ =	shalt  }
0x70: {  	_ =	shalt  }
0x71: {  	_ =	shalt  }
0x72: {  	_ =	shalt  }
0x73: {  	_ =	shalt  }
0x74: {  	_ =	shalt  }
0x75: {  	_ =	shalt  }
0x76: {  	_ =	shalt  }
0x77: {  	_ =	shalt  }
0x78: {  	_ =	shalt  }
0x79: {  	_ =	shalt  }
0x7a: {  	_ =	shalt  }
0x7b: {  	_ =	shalt  }
0x7c: {  	_ =	shalt  }
0x7d: {  	_ =	shalt  }
0x7e: {  	_ =	shalt  }
0x7f: {  	_ =	shalt  }
0x80: {  	_ =	shalt  }
0x81: {  	_ =	shalt  }
0x82: {  	_ =	shalt  }
0x83: {  	_ =	shalt  }
0x84: {  	_ =	shalt  }
0x85: {  	_ =	shalt  }
0x86: {  	_ =	shalt  }
0x87: {  	_ =	shalt  }
.Lfunc_end0:
.L_simem_size_0:
called_computation.2_lowered:
.L_overlay_start_0:
0x88: {  	s2 =	sld [smem:$0x3FD9]  }
0x89: {  	s3 =	sld [smem:$0x3FFE];
	_ =	sdelay $0x1  }
0x8a: {  	s1 =	srdreg.scid  }
0x8b: {  	s0 =	sand.u32 $0x1, s1  }
0x8c: {  	s17 =	sshll.u32 s0, $0xA;
	s2 =	sadd.s32 s3, s2  }
0x8d: {  	s2 =	sadd.s32 s2, s17  }
0x8e: {  	[smem:$0x3FBE] =	sst s2  }
0x8f: {  	_ = 	snop  }
0x90: {  	s2 =	sld [smem:$0x3FD0];
	(tm) =	ssettm $0x1  }
0x91: {  	s18 =	sld [smem:$0x3FFB];
	_ =	sdelay $0x3  }
0x92: {  	_ =	strace s18  }
0x93: {  	s3 =	sld [smem:$0x3FFC];
	_ =	sdelay $0x3  }
0x94: {  	_ =	strace s3  }
0x95: {  	s3 =	sld [smem:$0x3FFD];
	_ =	sdelay $0x3  }
0x96: {  	_ =	strace s3  }
0x97: {  	_ =	strace $0x8FFFFFFF  }
0x98: {  	s19 =	sld [smem:$0x3FDB];
	_ =	sdelay $0x1  }
0x99: {  	s4 =	simm.s32 $_scs_section_size  }
0x9a: {  	s5 =	simm.s32 $_size__tile_overlayer_lowered;
	s6 =	simm.s32 $_tile_overlayer_lowered  }
0x9b: {  	s22 =	simm.s32 $0x1BFF;
	s21 =	sshll.u32 s6, $0x1;
	s3 =	sadd.s32 s4, s19  }
0x9c: {  	s7 =	simm.s32 $0x0;
	s20 =	sshll.u32 s5, $0x1;
	s5 =	sadd.s32 s21, s3  }
0x9d: {  	[timem:s7], [sflag:s22] =	dma.local [hbm:s5], s20  }
0x9e: {  	_ =	swait.ge [sflag:s22], s20  }
0x9f: {  	s4 =	ssub.s32 $0x0, s20;
	[sflag:s22] =	ssyncset.done $0x0  }
0xa0: {  	[sflag:s22] =	ssyncadd.s32 s4;
	_ =	sdelay $0x1  }
0xa1: {  	s23 =	simm.s32 $0x1B8B  }
0xa2: {  	_ =	swait.ge [sflag:s23], $0x1  }
0xa3: {  	[sflag:s23] =	ssyncset.done $0x0  }
0xa4: {  	s25 =	simm.s32 $0x1B8E;
	s24 =	sld [smem:$0x3FFE];
	[sflag:s23] =	ssyncadd.s32 $0xFFFFFFFF  }
0xa5: {  	s26 =	simm.s32 $execute0_lowered;
	[smem:$0x3FD2] =	sst s25  }
0xa6: {  	s5 =	sshll.u32 s26, $0x1;
	_ =	strace $0x80000049;
	[dreg:$0x1] =	wrdreg $0xFFFFFFFF  }
0xa7: {  	s28 =	simm.s32 $_size_execute0_lowered;
	s3 =	sadd.s32 s3, s5;
	[dreg:$0x0] =	wrdreg $0x0  }
0xa8: {  	s5 =	sshll.u32 s28, $0x1;
	[dreg:$0x2] =	wrdreg s3  }
0xa9: {  	[dreg:$0x3] =	wrdreg s5  }
0xaa: {  	[dreg:$0x4] =	wrdreg $0xC0  }
0xab: {  	_ =	task [dreg:s7], $0x5FFFF  }
0xac: {  	[dreg:$0x1] =	wrdreg $0xFFFFFFFF  }
0xad: {  	[dreg:$0x0] =	wrdreg $0x60  }
0xae: {  	[dreg:$0x2] =	wrdreg s24  }
0xaf: {  	[dreg:$0x3] =	wrdreg s2  }
0xb0: {  	[dreg:$0x4] =	wrdreg $0x0  }
0xb1: {  	[dreg:$0x5] =	wrdreg $0xA  }
0xb2: {  	_ =	task.clear_ibuf [dreg:s7], $0x6FFFF;
	_ =	strace $0x90000049  }
0xb3: {  	s29 =	simm.s32 $0xA;
	_ =	strace $0x8000004B  }
0xb4: {  	_ =	swait.ge [sflag:s29], $0x1  }
0xb5: {  	[sflag:s29] =	ssyncadd.s32 $0xFFFFFFFF  }
0xb6: {  	_ =	strace $0x9000004B  }
0xb7: {  	_ =	sfence  }
0xb8: {  	s30 =	sld [smem:$0x0];
	_ =	sdelay $0x2  }
0xb9: {  	s31 =	sshll.u32 s1, $0xD;
	s1 =	sshrl.u32 s1, $0x2  }
0xba: {  	s3 =	sand.u32 $0x4000, s31;
	s1 =	sadd.s32 s1, s30  }
0xbb: {  	s0 =	sor.u32 s3, s0;
	s1 =	sshll.u32 s1, $0x11  }
0xbc: {  	s0 =	sor.u32 s1, s0  }
0xbd: {  	s0 =	sadd.s32 $0x8F2B, s0  }
0xbe: {  	[sflag:s0] =	ssyncadd.remote.s32 $0x1  }
0xbf: {  	_ =	sfence.sel $0xFFFF  }
0xc0: {  	[dreg:$0x0] =	wrdreg $0xFFFFFFFF;
	(pc) =	sbr.abs _section_cstart, $3  }
0xc1: {  	[dreg:$0x1] =	wrdreg $0xFFFFFFFF  }
0xc2: {  	_ =	task.clear_ibuf [dreg:s7], $0x2FFFF;
	_ =	strace $0x9FFFFFFF  }
0xc3: {  	(tm) =	ssettm $0x7FFFFFFF  }
tec
execute0_lowered:
.L_overlay_start_1:
0x0: {  	(tag) =	ssettag $0x1  }
0x1: {  	s0 =	rddreg [dreg:$0x0]  }
0x2: {  	s15 =	rddreg [dreg:$0x1]  }
0x3: {  	s1 =	rddreg [dreg:$0x2]  }
0x4: {  	s3 =	simm.s32 $0x0;
	s2 =	srdreg.scid;
	s4 =	stileid.u32  }
0x5: {  	s28 =	simm.s32 $0x1FE00;
	s29 =	simm.s32 $0x1FA00;
	s31 =	simm.s32 $0x0  }
0x6: {  	[smem:$0x7FF] =	sst s3;
	s14 =	sadd.s32 $0x15600, s0;
	s13 =	smul.u32 $0x2710, s4  }
0x7: {  	s2 =	sand.u32 $0x1, s2;
	s5 =	sadd.s32 $0x600, s0;
	s8 =	smul.u32 $0x4E200, s4  }
0x8: {  	s6 =	sshll.u32 s4, $0x1;
	s21 =	sshll.u32 s4, $0x6;
	s17 =	smul.u32 $0x27100, s2  }
0x9: {  	s7 =	ssub.s32 $0x2, s2;
	s6 =	sor.u32 s2, s6;
	s2 =	smul.u32 $0x1388, s2  }
0xa: {  	_ =	strace $0x8000004A;
	[dreg:$0x4] =	wrdreg s5;
	s10 =	smul.u32 $0x1388, s6  }
0xb: {  	s9 =	sshrl.u32 s7, $0x1;
	s18 =	sshrl.u32 s8, $0x2;
	s20 =	smul.u32 $0x9C400, s6  }
0xc: {  	s22 =	smul.u32 $0x13880, s6;
	s5 =	sadd.s32 s13, s17;
	s11 =	ssub.s32 s7, s9  }
0xd: {  	s17 =	sadd.s32 s18, s1;
	s26 =	sadd.s32 s2, s13;
	s0 =	sadd.s32 s5, s0  }
0xe: {  	s19 =	sshrl.u32 s10, $0x3;
	s5 =	sor.u32 $0x1C03, s21;
	s24 =	sshrl.u32 s20, $0x3  }
0xf: {  	s7 =	sadd.s32 s14, s22;
	s11 =	smax.u32 s11, $0x1;
	s2 =	sadd.s32 $0x27280, s26  }
0x10: {  	s16 =	sshll.u32 s26, $0x4;
	s20 =	simm.s32 $0x1F880;
	s21 =	simm.s32 $0x13880  }
0x11: {  	s22 =	simm.s32 $0xC0;
	s12 =	sadd.s32 s15, s19;
	s25 =	sadd.s32 s14, s24  }
0x12: {  	s10 =	sadd.s32 $0x286600, s0;
	s13 =	sadd.s32 $0x12C00, s7;
	s2 =	sshrl.u32 s2, $0x3  }
0x13: {  	s18 =	sadd.s32 s14, s16;
	s0 =	sadd.s32 $0x271C0, s26;
	s19 =	simm.s32 $0x3  }
0x14: {  	s24 =	simm.s32 $0x19880;
	s26 =	simm.s32 $0x2;
	s23 =	sadd.s32 $0x4E20, s12  }
0x15: {  	s8 =	sadd.s32 $0x5090, s12;
	s9 =	sadd.s32 $0x13800, s25;
	s12 =	sadd.s32 $0x5078, s12  }
0x16: {  	s14 =	sadd.s32 s2, s15;
	s2 =	sadd.s32 $0x1800, s18;
	s0 =	sshrl.u32 s0, $0x3  }
0x17: {  	s30 =	sadd.s32 $0xC00, s18;
	s18 =	sshrl.u32 s17, $0x3;
	s25 =	simm.s32 $0x1  }
0x18: {  	[dreg:$0x5] =	wrdreg s23;
	s16 =	sadd.s32 s0, s15;
	s23 =	simm.s32 $0x1F940  }
.LBB2_1:
0x19: {  	s0 =	rddreg [dreg:$0x4]  }
0x1a: {  	[spmem:s18], [sflag:s5] =	dma.local [hbm:s0], $0x2710  }
0x1b: {  	_ =	swait.ge [sflag:s19], $0x2710  }
0x1c: {  	[sflag:s19] =	ssyncset.done $0x0  }
0x1d: {  	[sflag:s19] =	ssyncadd.s32 $0xFFFFD8F0  }
0x1e: {  	[bflag:$0x0] =	sbarrier.arrive $0xFFFF  }
0x1f: {  	s6 =	rddreg [dreg:$0x5]  }
0x20: {  	[tilespmem:s20], [sflag:$0x3] =	stream.linear.gather [hbm4b:s6+s3], $0xC0, $0x38;
	[tilespmem:$0x1FE08] =	vst v63  }
0x21: {  	_ =	swait.ge [sflag:s19], $0xC0  }
0x22: {  	[sflag:s19] =	ssyncset.done $0x0  }
0x23: {  	[sflag:s19] =	ssyncadd.s32 $0xFFFFFF40  }
0x24: {  	[tilespmem:s21], [sflag:$0x3] =	stream.linear.gather [hbm4b:s7+s3], $0x6000, $0x38;
	[tilespmem:$0x1FE08] =	vst v63  }
0x25: {  	_ =	swait.ge [sflag:s19], $0x6000  }
0x26: {  	[sflag:s19] =	ssyncset.done $0x0  }
0x27: {  	[sflag:s19] =	ssyncadd.s32 $0xFFFFA000  }
0x28: {  	[spmem:s1] =	stream.indirect.scatter.add.f32 [tilespmem:s21], [sflag:$0x1], $0x80, s20, s22, $0xb8;
	[tilespmem:$0x1FE08] =	vst v63  }
0x29: {  	s15 =	sadd.s32 $0x0, s16  }
0x2a: {  	[tilespmem:s23], [sflag:$0x3] =	stream.linear.gather [hbm4b:s15+s3], $0xC0, $0x38;
	[tilespmem:$0x1FE08] =	vst v63  }
0x2b: {  	_ =	swait.ge [sflag:s19], $0xC0  }
0x2c: {  	[sflag:s19] =	ssyncset.done $0x0  }
0x2d: {  	[sflag:s19] =	ssyncadd.s32 $0xFFFFFF40  }
0x2e: {  	[tilespmem:s24], [sflag:$0x3] =	stream.linear.gather [hbm4b:s30+s3], $0x6000, $0x38;
	[tilespmem:$0x1FE08] =	vst v63  }
0x2f: {  	_ =	swait.ge [sflag:s19], $0x6000  }
0x30: {  	[sflag:s19] =	ssyncset.done $0x0  }
0x31: {  	[sflag:s19] =	ssyncadd.s32 $0xFFFFA000  }
0x32: {  	_ =	swait.ge [sflag:s25], $0x6000  }
0x33: {  	[sflag:s25] =	ssyncset.done $0x0  }
0x34: {  	[sflag:s25] =	ssyncadd.s32 $0xFFFFA000  }
0x35: {  	[spmem:s1] =	stream.indirect.scatter.add.f32 [tilespmem:s24], [sflag:$0x2], $0x80, s23, s22, $0xb8;
	[tilespmem:$0x1FE08] =	vst v63  }
0x36: {  	s17 =	sadd.s32 $0x0, s14  }
0x37: {  	[tilespmem:s20], [sflag:$0x3] =	stream.linear.gather [hbm4b:s17+s3], $0xC0, $0x38;
	[tilespmem:$0x1FE08] =	vst v63  }
0x38: {  	_ =	swait.ge [sflag:s19], $0xC0  }
0x39: {  	[sflag:s19] =	ssyncset.done $0x0  }
0x3a: {  	[sflag:s19] =	ssyncadd.s32 $0xFFFFFF40  }
0x3b: {  	[tilespmem:s21], [sflag:$0x3] =	stream.linear.gather [hbm4b:s2+s3], $0x6000, $0x38;
	[tilespmem:$0x1FE08] =	vst v63  }
0x3c: {  	_ =	swait.ge [sflag:s19], $0x6000  }
0x3d: {  	[sflag:s19] =	ssyncset.done $0x0  }
0x3e: {  	[sflag:s19] =	ssyncadd.s32 $0xFFFFA000  }
0x3f: {  	s0 =	simm.s32 $0x30;
	_ =	swait.ge [sflag:s26], $0x6000  }
0x40: {  	s15 =	smov.u32 s2;
	s17 =	smov.u32 s30;
	[sflag:s26] =	ssyncset.done $0x0  }
.LBB2_2:
0x41: {  	[sflag:s26] =	ssyncadd.s32 $0xFFFFA000  }
0x42: {  	s15 =	sadd.s32 $0x1800, s15;
	s17 =	sadd.s32 $0x1800, s17;
	s4 =	smov.u32 s0  }
0x43: {  	[spmem:s1] =	stream.indirect.scatter.add.f32 [tilespmem:s21], [sflag:$0x1], $0x80, s20, s22, $0xb8;
	[tilespmem:$0x1FE08] =	vst v63  }
0x44: {  	p0 =	sne.s32 s0, $0x210;
	s0 =	sadd.s32 $0x30, s0;
	s6 =	sadd.s32 s4, s16  }
0x45: {  	[tilespmem:s23], [sflag:$0x3] =	stream.linear.gather [hbm4b:s6+s3], $0xC0, $0x38;
	[tilespmem:$0x1FE08] =	vst v63  }
0x46: {  	_ =	swait.ge [sflag:s19], $0xC0  }
0x47: {  	[sflag:s19] =	ssyncset.done $0x0  }
0x48: {  	[sflag:s19] =	ssyncadd.s32 $0xFFFFFF40  }
0x49: {  	[tilespmem:s24], [sflag:$0x3] =	stream.linear.gather [hbm4b:s17+s3], $0x6000, $0x38;
	[tilespmem:$0x1FE08] =	vst v63  }
0x4a: {  	_ =	swait.ge [sflag:s19], $0x6000  }
0x4b: {  	[sflag:s19] =	ssyncset.done $0x0  }
0x4c: {  	[sflag:s19] =	ssyncadd.s32 $0xFFFFA000  }
0x4d: {  	_ =	swait.ge [sflag:s25], $0x6000  }
0x4e: {  	[sflag:s25] =	ssyncset.done $0x0  }
0x4f: {  	[sflag:s25] =	ssyncadd.s32 $0xFFFFA000  }
0x50: {  	[spmem:s1] =	stream.indirect.scatter.add.f32 [tilespmem:s24], [sflag:$0x2], $0x80, s23, s22, $0xb8;
	[tilespmem:$0x1FE08] =	vst v63  }
0x51: {  	s4 =	sadd.s32 s4, s14  }
0x52: {  	[tilespmem:s20], [sflag:$0x3] =	stream.linear.gather [hbm4b:s4+s3], $0xC0, $0x38;
	[tilespmem:$0x1FE08] =	vst v63  }
0x53: {  	_ =	swait.ge [sflag:s19], $0xC0  }
0x54: {  	[sflag:s19] =	ssyncset.done $0x0  }
0x55: {  	[sflag:s19] =	ssyncadd.s32 $0xFFFFFF40  }
0x56: {  	[tilespmem:s21], [sflag:$0x3] =	stream.linear.gather [hbm4b:s15+s3], $0x6000, $0x38;
	[tilespmem:$0x1FE08] =	vst v63  }
.Ltmp0:
0x57: {  	_ =	swait.ge [sflag:s19], $0x6000;
	(pc) =	sbr.rel @p0 .LBB2_2-.Ltmp0, $4  }
0x58: {  	[sflag:s19] =	ssyncset.done $0x0  }
0x59: {  	[sflag:s19] =	ssyncadd.s32 $0xFFFFA000  }
0x5a: {  	_ =	swait.ge [sflag:s26], $0x6000  }
0x5b: {  	[sflag:s26] =	ssyncset.done $0x0  }
0x5c: {  	[sflag:s26] =	ssyncadd.s32 $0xFFFFA000  }
0x5d: {  	[spmem:s1] =	stream.indirect.scatter.add.f32 [tilespmem:s21], [sflag:$0x1], $0x80, s20, s22, $0xb8;
	[tilespmem:$0x1FE08] =	vst v63  }
0x5e: {  	_ = 	snop  }
0x5f: {  	[tilespmem:s23], [sflag:$0x3] =	stream.linear.gather [hbm4b:s12+s3], $0xC0, $0x38;
	[tilespmem:$0x1FE08] =	vst v63  }
0x60: {  	_ =	swait.ge [sflag:s19], $0xC0  }
0x61: {  	[sflag:s19] =	ssyncset.done $0x0  }
0x62: {  	[sflag:s19] =	ssyncadd.s32 $0xFFFFFF40  }
0x63: {  	[tilespmem:s24], [sflag:$0x3] =	stream.linear.gather [hbm4b:s13+s3], $0x6000, $0x38;
	[tilespmem:$0x1FE08] =	vst v63  }
0x64: {  	_ =	swait.ge [sflag:s19], $0x6000  }
0x65: {  	[sflag:s19] =	ssyncset.done $0x0  }
0x66: {  	[sflag:s19] =	ssyncadd.s32 $0xFFFFA000  }
0x67: {  	_ =	swait.ge [sflag:s25], $0x6000  }
0x68: {  	[sflag:s25] =	ssyncset.done $0x0  }
0x69: {  	[sflag:s25] =	ssyncadd.s32 $0xFFFFA000  }
0x6a: {  	[spmem:s1] =	stream.indirect.scatter.add.f32 [tilespmem:s24], [sflag:$0x2], $0x80, s23, s22, $0xb8;
	[tilespmem:$0x1FE08] =	vst v63  }
0x6b: {  	_ =	swait.ge [sflag:s26], $0x6000  }
0x6c: {  	[sflag:s26] =	ssyncset.done $0x0  }
0x6d: {  	[sflag:s26] =	ssyncadd.s32 $0xFFFFA000  }
0x6e: {  	[tilespmem:s28], [sflag:$0x3] =	stream.linear.gather [hbm4b:s8+s3], $0x8, $0x38;
	[tilespmem:$0x1FE08] =	vst v63  }
0x6f: {  	_ =	swait.ge [sflag:s19], $0x8  }
0x70: {  	[sflag:s19] =	ssyncset.done $0x0  }
0x71: {  	[sflag:s19] =	ssyncadd.s32 $0xFFFFFFF8  }
0x72: {  	[tilespmem:s29], [sflag:$0x3] =	stream.linear.gather [hbm4b:s9+s3], $0x400, $0x38;
	[tilespmem:$0x1FE08] =	vst v63  }
0x73: {  	_ =	swait.ge [sflag:s19], $0x400  }
0x74: {  	[sflag:s19] =	ssyncset.done $0x0  }
0x75: {  	s0 =	simm.s32 $0x8;
	[sflag:s19] =	ssyncadd.s32 $0xFFFFFC00  }
0x76: {  	[spmem:s1] =	stream.indirect.scatter.add.f32 [tilespmem:s29], [sflag:$0x3], $0x80, s28, s0, $0xb8;
	[tilespmem:$0x1FE08] =	vst v63  }
0x77: {  	_ =	swait.ge [sflag:s19], $0x400  }
0x78: {  	s31 =	sadd.s32 $0x1, s31;
	[sflag:s19] =	ssyncset.done $0x0  }
0x79: {  	p0 =	sne.s32 s31, s11;
	[sflag:s19] =	ssyncadd.s32 $0xFFFFFC00  }
.Ltmp1:
0x7a: {  	[bflag:$0x0] =	sbarrier.arrive $0xFFFF;
	(pc) =	sbr.rel @p0 .LBB2_1-.Ltmp1, $4  }
0x7b: {  	[hbm:s10], [sflag:s5] =	dma.local [spmem:s18], $0x2710  }
0x7c: {  	_ =	swait.ge [sflag:s19], $0x2710  }
0x7d: {  	[sflag:s19] =	ssyncset.done $0x0  }
0x7e: {  	[sflag:s19] =	ssyncadd.s32 $0xFFFFD8F0  }
0x7f: {  	_ =	sfence.sel $0x180000  }
0x80: {  	[bflag:$0x0] =	sbarrier.arrive $0xFFFF  }
0x81: {  	_ =	strace $0x9000004A  }
0x82: {  	s0 =	stileid.u32;
	[bflag:$0x2] =	sbarrier.arrive $0xFFFF  }
0x83: {  	p0 =	sne.s32 s0, $0x0;
	s0 =	rddreg [dreg:$0x3]  }
0x84: {  	s0 =	sadd.s32 @!p0 $0x100000, s0  }
0x85: {  	[sflag:s0] =	ssyncadd.tile.s32 @!p0 $0x1;
	_ =	shalt  }
.Lfunc_end2:
_tile_overlayer_lowered:
.L_overlay_start_2:
0x86: {  	(tag) =	ssettag $0x2  }
0x87: {  	s0 =	rddreg [dreg:$0x0];
	s2 =	stileid.u32  }
0x88: {  	s1 =	rddreg [dreg:$0x1];
	p0 =	sne.s32 s2, $0x0  }
0x89: {  	s3 =	rddreg [dreg:$0x2];
	[bflag:$0x3] =	sbarrier.arrive $0xFFFF;
	s2 =	simm.s32 @!p0 $0x1C03  }
0x8a: {  	[timem:s3], [sflag:s2] =	dma.local @!p0 [hbm:s0], s1  }
0x8b: {  	s0 =	simm.s32 @!p0 $0x3  }
0x8c: {  	_ =	swait.ge @!p0 [sflag:s0], s1  }
0x8d: {  	s1 =	ssub.s32 @!p0 $0x0, s1;
	[sflag:s0] =	ssyncset.done @!p0 $0x0  }
0x8e: {  	[sflag:s0] =	ssyncadd.s32 @!p0 s1  }
0x8f: {  	[bflag:$0x3] =	sbarrier.arrive $0xFFFF  }
0x90: {  	_ =	shalt  }

// kernel: kernel.8.cloned.1.call-start
scs
__scs_entry_jumppad:
0x0: {  	(pc) =	sbr.rel $0x88, $3  }
0x1: {  	(tag) =	ssettag $0x0;
	lr =	simm.s32 $0x1  }
0x2: {  	[smem:$0x3F97] =	sst lr;
	_ =	strace $0xD0000000  }
0x3: {  	_ = 	snop  }
0x4: {  	_ = 	snop  }
0x5: {  	_ = 	snop  }
0x6: {  	_ = 	snop  }
0x7: {  	_ = 	snop  }
__scs_overlays_trampoline_lowered:
0x8: {  	[smem:$0x3FA6] =	sst s0  }
0x9: {  	[smem:$0x3FA7] =	sst s1  }
0xa: {  	[smem:$0x3FA8] =	sst s2  }
0xb: {  	[smem:$0x3FA9] =	sst s3  }
0xc: {  	[smem:$0x3FAA] =	sst s4  }
0xd: {  	[smem:$0x3FAB] =	sst s5  }
0xe: {  	[smem:$0x3FAC] =	sst s6  }
0xf: {  	[smem:$0x3FAD] =	sst s7  }
0x10: {  	[smem:$0x3FAE] =	sst s8  }
0x11: {  	[smem:$0x3FAF] =	sst s9;
	s0 =	simm.s32 @!p0 $0x0  }
0x12: {  	s1 =	sld [smem:$0x3F95];
	s0 =	simm.s32 @p0 $0x1  }
0x13: {  	[smem:$0x3FB0] =	sst s0;
	s0 =	simm.s32 @!p1 $0x0  }
0x14: {  	s2 =	sld [smem:$0x3F94];
	s0 =	simm.s32 @p1 $0x1  }
0x15: {  	[smem:$0x3FB1] =	sst s0;
	s0 =	simm.s32 @!p2 $0x0  }
0x16: {  	s3 =	sld [smem:$0x3FDB];
	s0 =	simm.s32 @p2 $0x1  }
0x17: {  	s4 =	simm.s32 $0x1BF5;
	[smem:$0x3FB3] =	sst s0  }
0x18: {  	s0 =	sld [smem:$0x3F96];
	_ =	swait.ge [sflag:s4], $0x0  }
0x19: {  	s7 =	sld [smem:$0x3F97]  }
0x1a: {  	s8 =	sadd.s32 $0xFFFFE003, lr  }
0x1b: {  	s9 =	sadd.s32 $0xFFFFFEF7, lr;
	s5 =	simm.s32 $0xFFFFFFFF;
	p2 =	slt.u32 s8, $0xFFFFF086  }
0x1c: {  	p1 =	slt.u32 s9, $0xF7A;
	s5 =	simm.s32 @!p2 $0x0  }
0x1d: {  	s5 =	simm.s32 @p1 $0x1;
	p0 =	seq.s32 s7, s2  }
0x1e: {  	s7 =	smul.u32 @!p0 $0xF7A, s2;
	p2 =	seq.s32 @!p0 s5, $0x0  }
0x1f: {  	s9 =	smul.u32 $0xF7A, s1;
	s8 =	simm.s32 @!p0 $0x1BF5;
	p2 =	por !p2, p0  }
0x20: {  	[sflag:s8] =	ssyncset.s32 @!p0 $0xFFFFF086;
	s6 =	sadd.s32 @!p0 s3, s7;
	s7 =	simm.s32 @!p0 $0x108  }
0x21: {  	s3 =	sadd.s32 s3, s9;
	s6 =	sadd.s32 @!p0 $0x88, s6;
	s7 =	simm.s32 @p2 $0x1082  }
0x22: {  	[simem:s7], [sflag:s8] =	dma.local @!p0 [hbm:s6], $0xF7A  }
0x23: {  	s9 =	sor.u32 $0xD0000000, s2;
	s6 =	simm.s32 $0x108;
	_ =	swait.ge @!p0 [sflag:s8], $0x0  }
0x24: {  	s3 =	sadd.s32 $0x88, s3;
	s6 =	simm.s32 @!p1 $0x1082;
	[sflag:s4] =	ssyncset.s32 $0xFFFFF086  }
0x25: {  	[simem:s6], [sflag:s4] =	dma.local [hbm:s3], $0xF7A  }
0x26: {  	[smem:$0x3F97] =	sst s1;
	(tag) =	ssettag s2;
	_ =	strace s9  }
0x27: {  	s1 =	sld [smem:$0x3FA7]  }
0x28: {  	s2 =	sld [smem:$0x3FA8]  }
0x29: {  	s4 =	sld [smem:$0x3FAA]  }
0x2a: {  	p0 =	seq.s32 s5, $0x0;
	s5 =	sld [smem:$0x3FAB]  }
0x2b: {  	s6 =	sld [smem:$0x3FAC]  }
0x2c: {  	s7 =	sld [smem:$0x3FAD]  }
0x2d: {  	s3 =	simm.s32 $0x108;
	s8 =	sld [smem:$0x3FAE]  }
0x2e: {  	s3 =	simm.s32 @!p0 $0x1082;
	s9 =	sld [smem:$0x3FAF]  }
0x2f: {  	lr =	sadd.s32 s0, s3;
	s0 =	sld [smem:$0x3FA6]  }
0x30: {  	s3 =	sld [smem:$0x3FA9]  }
0x31: {  	[smem:$0x3FB2] =	sst s10  }
0x32: {  	s10 =	sld [smem:$0x3FB0];
	_ =	sdelay $0x3  }
0x33: {  	p0 =	seq.s32 s10, $0x1;
	s10 =	sld [smem:$0x3FB2];
	_ =	sdelay $0x3  }
0x34: {  	[smem:$0x3FB2] =	sst s10  }
0x35: {  	s10 =	sld [smem:$0x3FB1];
	_ =	sdelay $0x3  }
0x36: {  	p1 =	seq.s32 s10, $0x1;
	s10 =	sld [smem:$0x3FB2];
	_ =	sdelay $0x3  }
0x37: {  	[smem:$0x3FB2] =	sst s10  }
0x38: {  	s10 =	sld [smem:$0x3FB3]  }
0x39: {  	_ = 	snop;
	(pc) =	sbr.ind lr, $3  }
0x3a: {  	_ = 	snop  }
0x3b: {  	_ = 	snop  }
0x3c: {  	p2 =	seq.s32 s10, $0x1;
	s10 =	sld [smem:$0x3FB2]  }
0x3d: {  	_ =	shalt  }
0x3e: {  	_ =	shalt  }
0x3f: {  	_ =	shalt  }
0x40: {  	_ =	shalt  }
0x41: {  	_ =	shalt  }
0x42: {  	_ =	shalt  }
0x43: {  	_ =	shalt  }
0x44: {  	_ =	shalt  }
0x45: {  	_ =	shalt  }
0x46: {  	_ =	shalt  }
0x47: {  	_ =	shalt  }
0x48: {  	_ =	shalt  }
0x49: {  	_ =	shalt  }
0x4a: {  	_ =	shalt  }
0x4b: {  	_ =	shalt  }
0x4c: {  	_ =	shalt  }
0x4d: {  	_ =	shalt  }
0x4e: {  	_ =	shalt  }
0x4f: {  	_ =	shalt  }
0x50: {  	_ =	shalt  }
0x51: {  	_ =	shalt  }
0x52: {  	_ =	shalt  }
0x53: {  	_ =	shalt  }
0x54: {  	_ =	shalt  }
0x55: {  	_ =	shalt  }
0x56: {  	_ =	shalt  }
0x57: {  	_ =	shalt  }
0x58: {  	_ =	shalt  }
0x59: {  	_ =	shalt  }
0x5a: {  	_ =	shalt  }
0x5b: {  	_ =	shalt  }
0x5c: {  	_ =	shalt  }
0x5d: {  	_ =	shalt  }
0x5e: {  	_ =	shalt  }
0x5f: {  	_ =	shalt  }
0x60: {  	_ =	shalt  }
0x61: {  	_ =	shalt  }
0x62: {  	_ =	shalt  }
0x63: {  	_ =	shalt  }
0x64: {  	_ =	shalt  }
0x65: {  	_ =	shalt  }
0x66: {  	_ =	shalt  }
0x67: {  	_ =	shalt  }
0x68: {  	_ =	shalt  }
0x69: {  	_ =	shalt  }
0x6a: {  	_ =	shalt  }
0x6b: {  	_ =	shalt  }
0x6c: {  	_ =	shalt  }
0x6d: {  	_ =	shalt  }
0x6e: {  	_ =	shalt  }
0x6f: {  	_ =	shalt  }
0x70: {  	_ =	shalt  }
0x71: {  	_ =	shalt  }
0x72: {  	_ =	shalt  }
0x73: {  	_ =	shalt  }
0x74: {  	_ =	shalt  }
0x75: {  	_ =	shalt  }
0x76: {  	_ =	shalt  }
0x77: {  	_ =	shalt  }
0x78: {  	_ =	shalt  }
0x79: {  	_ =	shalt  }
0x7a: {  	_ =	shalt  }
0x7b: {  	_ =	shalt  }
0x7c: {  	_ =	shalt  }
0x7d: {  	_ =	shalt  }
0x7e: {  	_ =	shalt  }
0x7f: {  	_ =	shalt  }
0x80: {  	_ =	shalt  }
0x81: {  	_ =	shalt  }
0x82: {  	_ =	shalt  }
0x83: {  	_ =	shalt  }
0x84: {  	_ =	shalt  }
0x85: {  	_ =	shalt  }
0x86: {  	_ =	shalt  }
0x87: {  	_ =	shalt  }
.Lfunc_end0:
.L_simem_size_0:
called_computation_lowered:
.L_overlay_start_0:
0x88: {  	s2 =	sld [smem:$0x3FD9]  }
0x89: {  	s3 =	sld [smem:$0x3FFE];
	_ =	sdelay $0x1  }
0x8a: {  	s1 =	srdreg.scid  }
0x8b: {  	s0 =	sand.u32 $0x1, s1  }
0x8c: {  	s17 =	sshll.u32 s0, $0xA;
	s2 =	sadd.s32 s3, s2  }
0x8d: {  	s2 =	sadd.s32 s2, s17  }
0x8e: {  	[smem:$0x3FBE] =	sst s2  }
0x8f: {  	_ = 	snop  }
0x90: {  	s2 =	sld [smem:$0x3FD0];
	(tm) =	ssettm $0x1  }
0x91: {  	s18 =	sld [smem:$0x3FFB];
	_ =	sdelay $0x3  }
0x92: {  	_ =	strace s18  }
0x93: {  	s3 =	sld [smem:$0x3FFC];
	_ =	sdelay $0x3  }
0x94: {  	_ =	strace s3  }
0x95: {  	s3 =	sld [smem:$0x3FFD];
	_ =	sdelay $0x3  }
0x96: {  	_ =	strace s3  }
0x97: {  	_ =	strace $0x8FFFFFFF  }
0x98: {  	s19 =	sld [smem:$0x3FDB];
	_ =	sdelay $0x1  }
0x99: {  	s4 =	simm.s32 $_scs_section_size  }
0x9a: {  	s5 =	simm.s32 $_size__tile_overlayer_lowered;
	s6 =	simm.s32 $_tile_overlayer_lowered  }
0x9b: {  	s22 =	simm.s32 $0x1BFF;
	s21 =	sshll.u32 s6, $0x1;
	s3 =	sadd.s32 s4, s19  }
0x9c: {  	s7 =	simm.s32 $0x0;
	s20 =	sshll.u32 s5, $0x1;
	s5 =	sadd.s32 s21, s3  }
0x9d: {  	[timem:s7], [sflag:s22] =	dma.local [hbm:s5], s20  }
0x9e: {  	_ =	swait.ge [sflag:s22], s20  }
0x9f: {  	s4 =	ssub.s32 $0x0, s20;
	[sflag:s22] =	ssyncset.done $0x0  }
0xa0: {  	[sflag:s22] =	ssyncadd.s32 s4;
	_ =	sdelay $0x1  }
0xa1: {  	s23 =	simm.s32 $0x1B8B  }
0xa2: {  	_ =	swait.ge [sflag:s23], $0x1  }
0xa3: {  	[sflag:s23] =	ssyncset.done $0x0  }
0xa4: {  	s25 =	simm.s32 $0x1B8E;
	s24 =	sld [smem:$0x3FFE];
	[sflag:s23] =	ssyncadd.s32 $0xFFFFFFFF  }
0xa5: {  	s26 =	simm.s32 $execute0_lowered;
	[smem:$0x3FD2] =	sst s25  }
0xa6: {  	s5 =	sshll.u32 s26, $0x1;
	_ =	strace $0x80000046;
	[dreg:$0x1] =	wrdreg $0xFFFFFFFF  }
0xa7: {  	s28 =	simm.s32 $_size_execute0_lowered;
	s3 =	sadd.s32 s3, s5;
	[dreg:$0x0] =	wrdreg $0x0  }
0xa8: {  	s5 =	sshll.u32 s28, $0x1;
	[dreg:$0x2] =	wrdreg s3  }
0xa9: {  	[dreg:$0x3] =	wrdreg s5  }
0xaa: {  	[dreg:$0x4] =	wrdreg $0xC0  }
0xab: {  	_ =	task [dreg:s7], $0x5FFFF  }
0xac: {  	[dreg:$0x1] =	wrdreg $0xFFFFFFFF  }
0xad: {  	[dreg:$0x0] =	wrdreg $0x60  }
0xae: {  	[dreg:$0x2] =	wrdreg s24  }
0xaf: {  	[dreg:$0x3] =	wrdreg s2  }
0xb0: {  	[dreg:$0x4] =	wrdreg $0x9  }
0xb1: {  	_ =	task.clear_ibuf [dreg:s7], $0x5FFFF;
	_ =	strace $0x90000046  }
0xb2: {  	s29 =	simm.s32 $0x9;
	_ =	strace $0x80000048  }
0xb3: {  	_ =	swait.ge [sflag:s29], $0x1  }
0xb4: {  	[sflag:s29] =	ssyncadd.s32 $0xFFFFFFFF  }
0xb5: {  	_ =	strace $0x90000048  }
0xb6: {  	_ =	sfence  }
0xb7: {  	s30 =	sld [smem:$0x0];
	_ =	sdelay $0x2  }
0xb8: {  	s31 =	sshll.u32 s1, $0xD;
	s1 =	sshrl.u32 s1, $0x2  }
0xb9: {  	s3 =	sand.u32 $0x4000, s31;
	s1 =	sadd.s32 s1, s30  }
0xba: {  	s0 =	sor.u32 s3, s0;
	s1 =	sshll.u32 s1, $0x11  }
0xbb: {  	s0 =	sor.u32 s1, s0  }
0xbc: {  	s0 =	sadd.s32 $0x8F2B, s0  }
0xbd: {  	[sflag:s0] =	ssyncadd.remote.s32 $0x1  }
0xbe: {  	_ =	sfence.sel $0xFFFF  }
0xbf: {  	[dreg:$0x0] =	wrdreg $0xFFFFFFFF;
	(pc) =	sbr.abs _section_cstart, $3  }
0xc0: {  	[dreg:$0x1] =	wrdreg $0xFFFFFFFF  }
0xc1: {  	_ =	task.clear_ibuf [dreg:s7], $0x2FFFF;
	_ =	strace $0x9FFFFFFF  }
0xc2: {  	(tm) =	ssettm $0x7FFFFFFF  }
0xc3: {  	_ =	shalt  }
tec
execute0_lowered:
.L_overlay_start_1:
0x0: {  	(tag) =	ssettag $0x1  }
0x1: {  	s6 =	rddreg [dreg:$0x0]  }
0x2: {  	s7 =	rddreg [dreg:$0x1]  }
0x3: {  	s0 =	rddreg [dreg:$0x2]  }
0x4: {  	s3 =	srdreg.scid;
	s1 =	stileid.u32;
	s2 =	simm.s32 $0x0  }
0x5: {  	s11 =	simm.s32 $0x2710;
	s12 =	simm.s32 $0x4E20;
	s13 =	simm.s32 $0x7530  }
0x6: {  	s14 =	simm.s32 $0x9C40;
	s15 =	simm.s32 $0xC350;
	s16 =	simm.s32 $0x0  }
0x7: {  	s5 =	sand.u32 $0x1, s3;
	s30 =	sshll.u32 s1, $0x1;
	[smem:$0x7FF] =	sst s2  }
0x8: {  	s4 =	sadd.s32 $0xC00, s6;
	s3 =	sor.u32 s5, s30;
	s9 =	ssub.s32 $0x2, s5  }
0x9: {  	_ =	strace $0x80000047;
	s8 =	smul.u32 $0x4E2, s3;
	s31 =	sshrl.u32 s9, $0x1  }
0xa: {  	s5 =	sadd.s32 $0x600, s6;
	s3 =	sadd.s32 $0x1200, s6;
	s9 =	ssub.s32 s9, s31  }
0xb: {  	s10 =	sadd.s32 s8, s6;
	s7 =	sadd.s32 s7, s8;
	s9 =	smax.u32 s9, $0x1  }
0xc: {  	s6 =	sadd.s32 $0x1800, s10;
	s8 =	sadd.s32 $0xB600, s10;
	s10 =	simm.s32 $0x1  }
.LBB2_1:
0xd: {  	[tilespmem:s2], [sflag:$0x1] =	stream.linear.gather [hbm4b:s3+s2], $0x2710, $0x38;
	[tilespmem:$0xEA60] =	vst v63  }
0xe: {  	_ =	swait.ge [sflag:s10], $0x2710  }
0xf: {  	[sflag:s10] =	ssyncset.done $0x0  }
0x10: {  	[sflag:s10] =	ssyncadd.s32 $0xFFFFD8F0  }
0x11: {  	[tilespmem:s11], [sflag:$0x1] =	stream.linear.gather [hbm4b:s4+s2], $0x2710, $0x38;
	[tilespmem:$0xEA60] =	vst v63  }
0x12: {  	_ =	swait.ge [sflag:s10], $0x2710  }
0x13: {  	[sflag:s10] =	ssyncset.done $0x0  }
0x14: {  	[sflag:s10] =	ssyncadd.s32 $0xFFFFD8F0  }
0x15: {  	[tilespmem:s12], [sflag:$0x1] =	stream.linear.gather [hbm4b:s5+s2], $0x2710, $0x38;
	[tilespmem:$0xEA60] =	vst v63  }
0x16: {  	_ =	swait.ge [sflag:s10], $0x2710  }
0x17: {  	[sflag:s10] =	ssyncset.done $0x0  }
0x18: {  	[sflag:s10] =	ssyncadd.s32 $0xFFFFD8F0  }
0x19: {  	[tilespmem:s13], [sflag:$0x1] =	stream.linear.gather [hbm4b:s6+s2], $0x2710, $0x38;
	[tilespmem:$0xEA60] =	vst v63  }
0x1a: {  	_ =	swait.ge [sflag:s10], $0x2710  }
0x1b: {  	[sflag:s10] =	ssyncset.done $0x0  }
0x1c: {  	[sflag:s10] =	ssyncadd.s32 $0xFFFFD8F0  }
0x1d: {  	[tilespmem:s14], [sflag:$0x1] =	stream.linear.gather [hbm4b:s7+s2], $0x2710, $0x38;
	[tilespmem:$0xEA60] =	vst v63  }
0x1e: {  	_ =	swait.ge [sflag:s10], $0x2710  }
0x1f: {  	[sflag:s10] =	ssyncset.done $0x0  }
0x20: {  	s17 =	simm.s32 $0x0;
	[sflag:s10] =	ssyncadd.s32 $0xFFFFD8F0  }
0x21: {  	v0 =	vld [tilespmem:s17+$0x9C40]  }
0x22: {  	v1 =	vld [tilespmem:s17+$0x7530];
	_ =	sdelay $0x6  }
0x23: {  	v2 =	vld.idx.msk [tilespmem:v0+s2+$0x0], $0xffff  }
0x24: {  	v3 =	vld.idx.msk [tilespmem:v1+s2+$0x0], $0xffff  }
0x25: {  	v4 =	vld.idx.msk [tilespmem:v1+s11+$0x0], $0xffff  }
0x26: {  	v5 =	vld.idx.msk [tilespmem:v0+s11+$0x0], $0xffff  }
0x27: {  	v6 =	vld.idx.msk [tilespmem:v1+s12+$0x0], $0xffff  }
0x28: {  	v7 =	vld.idx.msk [tilespmem:v0+s12+$0x0], $0xffff;
	_ =	sdelay $0x2  }
0x29: {  	s18 =	simm.s32 $0x10;
	v3 =	vsub.f32 v3, v2;
	v4 =	vsub.f32 v4, v5  }
0x2a: {  	v0 =	vld [tilespmem:s18+$0x9C40]  }
0x2b: {  	v1 =	vld [tilespmem:s18+$0x7530];
	v2 =	vsub.f32 v6, v7;
	v3 =	vmul.f32 v3, v3;
	v4 =	vmul.f32 v4, v4  }
0x2c: {  	s19 =	simm.s32 $0x80  }
.LBB2_2:
0x2d: {  	p0 =	sne.s32 s19, $0x9C00;
	v3 =	vadd.f32 v4, v3;
	v2 =	vmul.f32 v2, v2;
	_ =	sdelay $0x1  }
0x2e: {  	v2 =	vadd.f32 v2, v3;
	_ =	sdelay $0x1  }
0x2f: {  	[tilespmem:s17+$0xC350] =	vst v2;
	s17 =	smov.u32 s18  }
0x30: {  	v2 =	vld.idx.msk [tilespmem:v0+s2+$0x0], $0xffff  }
0x31: {  	v3 =	vld.idx.msk [tilespmem:v1+s2+$0x0], $0xffff  }
0x32: {  	v4 =	vld.idx.msk [tilespmem:v1+s11+$0x0], $0xffff  }
0x33: {  	v5 =	vld.idx.msk [tilespmem:v0+s11+$0x0], $0xffff  }
0x34: {  	v6 =	vld.idx.msk [tilespmem:v1+s12+$0x0], $0xffff  }
0x35: {  	v7 =	vld.idx.msk [tilespmem:v0+s12+$0x0], $0xffff;
	_ =	sdelay $0x2  }
.Ltmp0:
0x36: {  	(pc) =	sbr.rel @p0 .LBB2_2-.Ltmp0, $4  }
0x37: {  	s18 =	sshra.s32 s19, $0x2;
	v3 =	vsub.f32 v3, v2;
	v4 =	vsub.f32 v4, v5  }
0x38: {  	v0 =	vld [tilespmem:s18+$0x9C40]  }
0x39: {  	v3 =	vmul.f32 v3, v3;
	v2 =	vsub.f32 v6, v7;
	v4 =	vmul.f32 v4, v4;
	v1 =	vld [tilespmem:s18+$0x7530]  }
0x3a: {  	s19 =	sadd.s32 $0x40, s19  }
0x3b: {  	_ = 	snop  }
0x3c: {  	v3 =	vadd.f32 v4, v3;
	v2 =	vmul.f32 v2, v2;
	_ =	sdelay $0x1  }
0x3d: {  	v2 =	vadd.f32 v2, v3;
	_ =	sdelay $0x1  }
0x3e: {  	[tilespmem:s17+$0xC350] =	vst v2  }
0x3f: {  	v2 =	vld.idx.msk [tilespmem:v0+s2+$0x0], $0xffff  }
0x40: {  	v57 =	vld.idx.msk [tilespmem:v1+s2+$0x0], $0xffff  }
0x41: {  	v58 =	vld.idx.msk [tilespmem:v1+s11+$0x0], $0xffff  }
0x42: {  	v5 =	vld.idx.msk [tilespmem:v0+s11+$0x0], $0xffff  }
0x43: {  	v59 =	vld.idx.msk [tilespmem:v1+s12+$0x0], $0xffff  }
0x44: {  	v60 =	vld.idx.msk [tilespmem:v0+s12+$0x0], $0xffff;
	_ =	sdelay $0x2  }
0x45: {  	v2 =	vsub.f32 v57, v2;
	v61 =	vsub.f32 v58, v5;
	_ =	sdelay $0x1  }
0x46: {  	v0 =	vsub.f32 v59, v60;
	v62 =	vmul.f32 v2, v2;
	v63 =	vmul.f32 v61, v61;
	_ =	sdelay $0x1  }
0x47: {  	v0 =	vmul.f32 v0, v0;
	v1 =	vadd.f32 v63, v62;
	_ =	sdelay $0x1  }
0x48: {  	s16 =	sadd.s32 $0x1, s16;
	v0 =	vadd.f32 v0, v1  }
0x49: {  	p0 =	sne.s32 s16, s9  }
.Ltmp1:
0x4a: {  	[tilespmem:s18+$0xC350] =	vst v0;
	(pc) =	sbr.rel @p0 .LBB2_1-.Ltmp1, $4  }
0x4b: {  	[hbm4b:s8+s2] =	stream.linear.scatter [tilespmem:s15], [sflag:$0x1], $0x2710, $0x38;
	[tilespmem:$0xEA60] =	vst v63  }
0x4c: {  	_ =	swait.ge [sflag:s10], $0x2710  }
0x4d: {  	[sflag:s10] =	ssyncset.done $0x0  }
0x4e: {  	[sflag:s10] =	ssyncadd.s32 $0xFFFFD8F0  }
0x4f: {  	_ =	sfence.sel $0x180000  }
0x50: {  	[bflag:$0x0] =	sbarrier.arrive $0xFFFF  }
0x51: {  	p0 =	sne.s32 s1, $0x0;
	_ =	strace $0x90000047  }
0x52: {  	s0 =	sadd.s32 @!p0 $0x100000, s0;
	[bflag:$0x2] =	sbarrier.arrive $0xFFFF  }
0x53: {  	[sflag:s0] =	ssyncadd.tile.s32 @!p0 $0x1;
	_ =	shalt  }
.Lfunc_end2:
_tile_overlayer_lowered:
.L_overlay_start_2:
0x54: {  	(tag) =	ssettag $0x2  }
0x55: {  	s0 =	rddreg [dreg:$0x0];
	s2 =	stileid.u32  }
0x56: {  	s1 =	rddreg [dreg:$0x1];
	p0 =	sne.s32 s2, $0x0  }
0x57: {  	s3 =	rddreg [dreg:$0x2];
	[bflag:$0x3] =	sbarrier.arrive $0xFFFF;
	s2 =	simm.s32 @!p0 $0x1C01  }
0x58: {  	[timem:s3], [sflag:s2] =	dma.local @!p0 [hbm:s0], s1  }
0x59: {  	s0 =	simm.s32 @!p0 $0x1  }
0x5a: {  	_ =	swait.ge @!p0 [sflag:s0], s1  }
0x5b: {  	s1 =	ssub.s32 @!p0 $0x0, s1;
	[sflag:s0] =	ssyncset.done @!p0 $0x0  }
0x5c: {  	[sflag:s0] =	ssyncadd.s32 @!p0 s1  }
0x5d: {  	[bflag:$0x3] =	sbarrier.arrive $0xFFFF  }
0x5e: {  	_ =	shalt  }

</sc_bundles>
